<compile_context>
chip_gen: v7x
topology: tpu7x:2x2x1
jax: 0.10.2.dev20260603
libtpu: 0.0.44.dev20260713+nightly
codegen_flags: <defaults>
</compile_context>

<pallas_src>
import functools

import jax
import jax.numpy as jnp
from jax import lax
from jax.experimental import pallas as pl
from jax.experimental.pallas import tpu as pltpu
from jax.experimental.pallas import tpu_sc as plsc

N = 10000
M = 10000
E = 320000
D = 128
H = 64

NC = 2
NS = 16
NW = NC * NS

CH = 128
NCH = 79
EP = NW * NCH * CH
EW = NCH * CH

SEG = 313
MP = NW * SEG
ACC_ROWS = 313
STRIP = 16000
NSTRIPS = E // STRIP
GCH = 128
KMAX = STRIP // GCH + 2
TRASH = (KMAX - 1) * GCH
LBUF = KMAX * GCH

_sc_mesh = functools.partial(
    plsc.VectorSubcoreMesh, core_axis_name="c", subcore_axis_name="s")


def _pre_body(lf_ref, lc_ref, cc_ref, wf_ref, wc_ref, b0_ref, g_ref, c_ref):
    wc = wc_ref[...]
    g_ref[...] = (
        jnp.dot(lf_ref[...], wf_ref[...], preferred_element_type=jnp.float32)
        + jnp.dot(lc_ref[...], wc, preferred_element_type=jnp.float32)
        + b0_ref[...]
    )
    c_ref[...] = jnp.dot(cc_ref[...], wc, preferred_element_type=jnp.float32)


def _tc_pre(lf, lc, cc, wf_t, wc_t, b0):
    blk = 2000
    grid = N // blk
    return pl.pallas_call(
        _pre_body,
        grid=(grid,),
        in_specs=[
            pl.BlockSpec((blk, D), lambda i: (i, 0)),
            pl.BlockSpec((blk, 3), lambda i: (i, 0)),
            pl.BlockSpec((blk, 3), lambda i: (i, 0)),
            pl.BlockSpec((D, H), lambda i: (0, 0)),
            pl.BlockSpec((3, H), lambda i: (0, 0)),
            pl.BlockSpec((1, H), lambda i: (0, 0)),
        ],
        out_specs=[
            pl.BlockSpec((blk, H), lambda i: (i, 0)),
            pl.BlockSpec((blk, H), lambda i: (i, 0)),
        ],
        out_shape=[
            jax.ShapeDtypeStruct((N, H), jnp.float32),
            jax.ShapeDtypeStruct((M, H), jnp.float32),
        ],
    )(lf, lc, cc, wf_t, wc_t, b0)


def _sc_gather_body(g_hbm, c_hbm, src_hbm, dst_hbm, h1_hbm,
                    sidx, didx, grows, crows, sem1, sem2):
    wid = lax.axis_index("s") * NC + lax.axis_index("c")

    def chunk(k, _):
        base = wid * EW + k * CH
        pltpu.sync_copy(src_hbm.at[pl.ds(base, CH)], sidx)
        pltpu.sync_copy(dst_hbm.at[pl.ds(base, CH)], didx)
        cp1 = pltpu.make_async_copy(g_hbm.at[sidx], grows, sem1)
        cp1.start()
        cp2 = pltpu.make_async_copy(c_hbm.at[didx], crows, sem2)
        cp2.start()
        cp1.wait()
        cp2.wait()

        def row(r, _):
            for cc in range(H // 16):
                sl = pl.ds(cc * 16, 16)
                grows[r, sl] = jnp.maximum(grows[r, sl] - crows[r, sl], 0.0)
            return 0

        lax.fori_loop(0, CH, row, 0)
        pltpu.sync_copy(grows, h1_hbm.at[pl.ds(base, CH)])
        return 0

    lax.fori_loop(0, NCH, chunk, 0)


def _sc_gather(g, c, src, dst):
    kfn = pl.kernel(
        _sc_gather_body,
        out_type=jax.ShapeDtypeStruct((EP, H), jnp.float32),
        mesh=_sc_mesh(),
        compiler_params=pltpu.CompilerParams(use_tc_tiling_on_sc=False, needs_layout_passes=False),
        scratch_types=[
            pltpu.VMEM((CH,), jnp.int32),
            pltpu.VMEM((CH,), jnp.int32),
            pltpu.VMEM((CH, H), jnp.float32),
            pltpu.VMEM((CH, H), jnp.float32),
            pltpu.SemaphoreType.DMA,
            pltpu.SemaphoreType.DMA,
        ],
    )
    return kfn(g, c, src, dst)


def _mid_body(h1_ref, w_ref, b_ref, h2_ref):
    h2_ref[...] = jnp.maximum(
        jnp.dot(h1_ref[...], w_ref[...], preferred_element_type=jnp.float32)
        + b_ref[...], 0.0)


def _tc_mid(h1, w1_t, b1):
    blk = 2048
    grid = EP // blk
    return pl.pallas_call(
        _mid_body,
        grid=(grid,),
        in_specs=[
            pl.BlockSpec((blk, H), lambda i: (i, 0)),
            pl.BlockSpec((H, H), lambda i: (0, 0)),
            pl.BlockSpec((1, H), lambda i: (0, 0)),
        ],
        out_specs=pl.BlockSpec((blk, H), lambda i: (i, 0)),
        out_shape=jax.ShapeDtypeStruct((EP, H), jnp.float32),
    )(h1, w1_t, b1)


NF = 4
NOWN = NW // NF
SEG4 = MP // NOWN
EQ = E // NF
NCHZ = EQ // GCH
NPAIR = (NCHZ + 1) // 2


def _sc_scatter_body(dst_hbm, h2_hbm, seg_hbm,
                     didx_a, didx_b, rows_a, rows_b, acc,
                     sia, sra, sib, srb):
    wid = lax.axis_index("s") * NC + lax.axis_index("c")
    egrp = wid // NOWN
    owner = wid - egrp * NOWN
    lo = owner * SEG4
    cbase = egrp * NCHZ
    zeros = jnp.zeros((16,), jnp.float32)

    def zrow(r, _):
        for cc in range(H // 16):
            acc[r, pl.ds(cc * 16, 16)] = zeros
        return 0

    lax.fori_loop(0, SEG4, zrow, 0)

    def cps(k, didx, rows, si, sr):
        base = (cbase + k) * GCH
        return (pltpu.make_async_copy(
                    dst_hbm.at[pl.ds(base, GCH)], didx.at[pl.ds(0, GCH)], si),
                pltpu.make_async_copy(
                    h2_hbm.at[pl.ds(base, GCH)], rows, sr))

    def issue(k, didx, rows, si, sr):
        c1, c2 = cps(k, didx, rows, si, sr)
        c1.start()
        c2.start()

    def drain(k, didx, rows, si, sr):
        c1, c2 = cps(k, didx, rows, si, sr)
        c1.wait()
        c2.wait()

    def compute(didx, rows):
        def grp(g, _):
            dv = didx[pl.ds(g * 16, 16)]
            locv = dv - lo
            mv = (locv >= 0) & (locv < SEG4)
            any_mine = jnp.any(mv)

            @pl.when(any_mine)
            def _():
                def lane(j, _):
                    loc = didx[pl.ds(g * 16 + j, 16)][0] - lo

                    @pl.when((loc >= 0) & (loc < SEG4))
                    def _():
                        r = g * 16 + j
                        for cc in range(H // 16):
                            sl = pl.ds(cc * 16, 16)
                            acc[loc, sl] = jnp.maximum(acc[loc, sl],
                                                       rows[r, sl])
                    return 0

                lax.fori_loop(0, 16, lane, 0)
            return 0

        lax.fori_loop(0, GCH // 16, grp, 0)

    issue(0, didx_a, rows_a, sia, sra)

    def pair(i, _):
        k0 = i * 2
        issue(jnp.minimum(k0 + 1, NCHZ - 1), didx_b, rows_b, sib, srb)
        drain(k0, didx_a, rows_a, sia, sra)
        compute(didx_a, rows_a)
        issue(jnp.minimum(k0 + 2, NCHZ - 1), didx_a, rows_a, sia, sra)
        drain(jnp.minimum(k0 + 1, NCHZ - 1), didx_b, rows_b, sib, srb)
        compute(didx_b, rows_b)
        return 0

    lax.fori_loop(0, NPAIR, pair, 0)
    drain(0, didx_a, rows_a, sia, sra)
    pltpu.sync_copy(acc, seg_hbm.at[pl.ds(egrp * MP + lo, SEG4)])


def _sc_scatter(dst, h2):
    kfn = pl.kernel(
        _sc_scatter_body,
        out_type=jax.ShapeDtypeStruct((NF * MP, H), jnp.float32),
        mesh=_sc_mesh(),
        compiler_params=pltpu.CompilerParams(use_tc_tiling_on_sc=False, needs_layout_passes=False),
        scratch_types=[
            pltpu.VMEM((GCH + 16,), jnp.int32),
            pltpu.VMEM((GCH + 16,), jnp.int32),
            pltpu.VMEM((GCH, H), jnp.float32),
            pltpu.VMEM((GCH, H), jnp.float32),
            pltpu.VMEM((SEG4, H), jnp.float32),
            pltpu.SemaphoreType.DMA,
            pltpu.SemaphoreType.DMA,
            pltpu.SemaphoreType.DMA,
            pltpu.SemaphoreType.DMA,
        ],
    )
    return kfn(dst, h2)


def _out_body(s0_ref, s1_ref, s2_ref, s3_ref, w_ref, b_ref, o_ref):
    s = jnp.maximum(jnp.maximum(s0_ref[...], s1_ref[...]),
                    jnp.maximum(s2_ref[...], s3_ref[...]))
    o_ref[...] = jnp.maximum(
        jnp.dot(s, w_ref[...], preferred_element_type=jnp.float32)
        + b_ref[...], 0.0)


def _tc_out(s0, s1, s2, s3, wo_t, bo):
    blk = 2000
    grid = M // blk
    return pl.pallas_call(
        _out_body,
        grid=(grid,),
        in_specs=[
            pl.BlockSpec((blk, H), lambda i: (i, 0)),
            pl.BlockSpec((blk, H), lambda i: (i, 0)),
            pl.BlockSpec((blk, H), lambda i: (i, 0)),
            pl.BlockSpec((blk, H), lambda i: (i, 0)),
            pl.BlockSpec((H, D), lambda i: (0, 0)),
            pl.BlockSpec((1, D), lambda i: (0, 0)),
        ],
        out_specs=pl.BlockSpec((blk, D), lambda i: (i, 0)),
        out_shape=jax.ShapeDtypeStruct((M, D), jnp.float32),
    )(s0, s1, s2, s3, wo_t, bo)


def kernel(last_coors, last_features, current_coors, edge,
           W_in0, b_in0, W_in1, b_in1, W_out0, b_out0):
    pad = jnp.zeros((EP - E,), jnp.int32)
    src = jnp.concatenate([edge[1], pad])
    dst = jnp.concatenate([edge[0], pad])
    wf_t = W_in0[:, :D].T
    wc_t = W_in0[:, D:].T
    g, c = _tc_pre(last_features, last_coors, current_coors,
                   wf_t, wc_t, b_in0.reshape(1, H))
    h1 = _sc_gather(g, c, src, dst)
    h2 = _tc_mid(h1, W_in1.T, b_in1.reshape(1, H))
    segp = _sc_scatter(dst, h2)
    return _tc_out(segp[:M], segp[MP:MP + M], segp[2 * MP:2 * MP + M],
                   segp[3 * MP:3 * MP + M], W_out0.T, b_out0.reshape(1, D))

# --- scband reference (transcript-rebuilt; emitter-appended) ---
"""Pipeline reference for scband-basic-block-49263274885742 (READ-ONLY COPY).

The authoritative reference and input builder live on the scoring server;
editing this copy changes nothing except your own understanding.
"""

import jax, jax.numpy as jnp
import numpy as np

N_LAST = 10000
M_CUR = 10000
E = 320000
D_FEAT = 128


def setup_inputs(seed: int = 0) -> dict:
    key = jax.random.key(seed)
    ks = jax.random.split(key, 12)
    last_coors = jax.random.normal(ks[0], (N_LAST, 3), dtype=jnp.float32)
    last_features = jax.random.normal(ks[1], (N_LAST, D_FEAT), dtype=jnp.float32)
    current_coors = jax.random.normal(ks[2], (M_CUR, 3), dtype=jnp.float32)
    edge = jax.random.randint(ks[3], (2, E), 0, M_CUR, dtype=jnp.int32)
    # in_linear: Linear(131->64) + ReLU, Linear(64->64) + ReLU
    W_in0 = jax.random.normal(ks[4], (64, 131), dtype=jnp.float32) * (1.0 / np.sqrt(131))
    b_in0 = jax.random.normal(ks[5], (64,), dtype=jnp.float32) * 0.01
    W_in1 = jax.random.normal(ks[6], (64, 64), dtype=jnp.float32) * (1.0 / np.sqrt(64))
    b_in1 = jax.random.normal(ks[7], (64,), dtype=jnp.float32) * 0.01
    # out_linear: Linear(64->128) + ReLU
    W_out0 = jax.random.normal(ks[8], (128, 64), dtype=jnp.float32) * (1.0 / np.sqrt(64))
    b_out0 = jax.random.normal(ks[9], (128,), dtype=jnp.float32) * 0.01
    return {
        "last_coors": last_coors,
        "last_features": last_features,
        "current_coors": current_coors,
        "edge": edge,
        "W_in0": W_in0, "b_in0": b_in0,
        "W_in1": W_in1, "b_in1": b_in1,
        "W_out0": W_out0, "b_out0": b_out0,
    }


def reference(last_coors, last_features, current_coors, edge, W_in0, b_in0, W_in1, b_in1, W_out0, b_out0):
    current_indices = edge[0, :]
    last_indices = edge[1, :]
    # gather
    center_coors = jnp.take(current_coors, current_indices, axis=0)
    neighbor_coors = jnp.take(last_coors, last_indices, axis=0)
    neighbor_features = jnp.take(last_features, last_indices, axis=0)
    neighbor_features = jnp.concatenate([neighbor_features, neighbor_coors - center_coors], axis=1)
    # in_linear MLP
    h = jax.nn.relu(neighbor_features @ W_in0.T + b_in0)
    h = jax.nn.relu(h @ W_in1.T + b_in1)
    # max_aggregation_fn: scatter_max into a zero-initialized buffer ->
    # out = max(0, segment_max); empty segments stay 0
    seg = jax.ops.segment_max(h, current_indices, num_segments=M_CUR)
    current_features = jnp.maximum(seg, 0.0)
    # out_linear MLP
    out = jax.nn.relu(current_features @ W_out0.T + b_out0)
    return out

if __name__ == "__main__":
    import jax
    _d = setup_inputs()
    print(jax.jit(kernel)(*tuple(_d.values())))

</pallas_src>

<mosaic_0001>
#map = affine_map<(d0, d1) -> (0)>
#map1 = affine_map<(d0, d1) -> (0, 0)>
module attributes {stable_mosaic.version = 14 : i64} {
  func.func @_sc_scatter_body(%arg0: i32, %arg1: i32, %arg2: memref<323584xi32, #tpu.memory_space<hbm>>, %arg3: memref<323584x64xf32, #tpu.memory_space<hbm>>, %arg4: memref<40064x64xf32, #tpu.memory_space<hbm>>, %arg5: memref<144xi32, #tpu.memory_space<vmem>>, %arg6: memref<144xi32, #tpu.memory_space<vmem>>, %arg7: memref<128x64xf32, #tpu.memory_space<vmem>>, %arg8: memref<128x64xf32, #tpu.memory_space<vmem>>, %arg9: memref<1252x64xf32, #tpu.memory_space<vmem>>, %arg10: memref<!tpu.dma_semaphore, #tpu.memory_space<semaphore_mem>>, %arg11: memref<!tpu.dma_semaphore, #tpu.memory_space<semaphore_mem>>, %arg12: memref<!tpu.dma_semaphore, #tpu.memory_space<semaphore_mem>>, %arg13: memref<!tpu.dma_semaphore, #tpu.memory_space<semaphore_mem>>) attributes {dimension_semantics = [#tpu.dimension_semantics<core_parallel>, #tpu.dimension_semantics<subcore_parallel>], iteration_bounds = array<i64: 2, 16>, scalar_prefetch = 0 : i64, scratch_operands = 9 : i64, tpu.core_type = #tpu.core_type<sc_vector_subcore>, window_params = [{transform_indices = #map}, {transform_indices = #map1}, {transform_indices = #map1}]} {
    %mul3A = arith.constant 2 : i32
    %mul3A_0 = arith.muli %arg1, %mul3A : i32
    %add3A = arith.addi %mul3A_0, %arg0 : i32
    %jit3A = arith.constant 8 : i32
    %div3A = arith.divsi %add3A, %jit3A : i32
    %sign3A = arith.constant 0 : i32
    %sign3A_1 = arith.cmpi sgt, %add3A, %sign3A : i32
    %sign3A_2 = arith.extui %sign3A_1 : i1 to i32
    %sign3A_3 = arith.constant 0 : i32
    %sign3A_4 = arith.cmpi slt, %add3A, %sign3A_3 : i32
    %sign3A_5 = arith.extui %sign3A_4 : i1 to i32
    %sign3A_6 = arith.subi %sign3A_2, %sign3A_5 : i32
    %sign3A_7 = arith.constant 0 : i32
    %sign3A_8 = arith.cmpi sgt, %jit3A, %sign3A_7 : i32
    %sign3A_9 = arith.extui %sign3A_8 : i1 to i32
    %sign3A_10 = arith.constant 0 : i32
    %sign3A_11 = arith.cmpi slt, %jit3A, %sign3A_10 : i32
    %sign3A_12 = arith.extui %sign3A_11 : i1 to i32
    %sign3A_13 = arith.subi %sign3A_9, %sign3A_12 : i32
    %ne3A = arith.cmpi ne, %sign3A_6, %sign3A_13 : i32
    %rem3A = arith.remsi %add3A, %jit3A : i32
    %ne3A_14 = arith.constant 0 : i32
    %ne3A_15 = arith.cmpi ne, %rem3A, %ne3A_14 : i32
    %and3A = arith.andi %ne3A, %ne3A_15 : i1
    %sub3A = arith.constant 1 : i32
    %sub3A_16 = arith.subi %div3A, %sub3A : i32
    %select_n3A = arith.select %and3A, %sub3A_16, %div3A : i32
    %mul3A_17 = arith.constant 8 : i32
    %mul3A_18 = arith.muli %select_n3A, %mul3A_17 : i32
    %sub3A_19 = arith.subi %add3A, %mul3A_18 : i32
    %mul3A_20 = arith.constant 1252 : i32
    %mul3A_21 = arith.muli %sub3A_19, %mul3A_20 : i32
    %mul3A_22 = arith.constant 625 : i32
    %mul3A_23 = arith.muli %select_n3A, %mul3A_22 : i32
    %broadcast_in_dim3A = arith.constant 0.000000e+00 : f32
    %broadcast_in_dim3A_24 = vector.broadcast %broadcast_in_dim3A : f32 to vector<16xf32>
    %scan3A = arith.constant 0 : i32
    %scan3A_25 = arith.constant 0 : i32
    %scan3A_26 = arith.constant 1252 : i32
    %scan3A_27 = arith.addi %scan3A_25, %scan3A_26 : i32
    %scan3A_28 = arith.constant 1 : i32
    %scan3A_29 = scf.for %scan3A_67 = %scan3A_25 to %scan3A_27 step %scan3A_28 iter_args(%scan3A_68 = %scan3A) -> (i32)  : i32 {
      %swap3A = arith.index_cast %scan3A_67 : i32 to index
      %swap3A_69 = arith.constant 0 : index
      %swap3A_70 = tpu.vector_load %arg9[%swap3A, %swap3A_69] {strides = array<i32>} : memref<1252x64xf32, #tpu.memory_space<vmem>>, vector<16xf32>,
      tpu.vector_store %arg9[%swap3A, %swap3A_69], %broadcast_in_dim3A_24 {strides = array<i32>} : memref<1252x64xf32, #tpu.memory_space<vmem>>, vector<16xf32>,
      %swap3A_71 = arith.index_cast %scan3A_67 : i32 to index
      %swap3A_72 = arith.constant 16 : index
      %swap3A_73 = tpu.vector_load %arg9[%swap3A_71, %swap3A_72] {strides = array<i32>} : memref<1252x64xf32, #tpu.memory_space<vmem>>, vector<16xf32>,
      tpu.vector_store %arg9[%swap3A_71, %swap3A_72], %broadcast_in_dim3A_24 {strides = array<i32>} : memref<1252x64xf32, #tpu.memory_space<vmem>>, vector<16xf32>,
      %swap3A_74 = arith.index_cast %scan3A_67 : i32 to index
      %swap3A_75 = arith.constant 32 : index
      %swap3A_76 = tpu.vector_load %arg9[%swap3A_74, %swap3A_75] {strides = array<i32>} : memref<1252x64xf32, #tpu.memory_space<vmem>>, vector<16xf32>,
      tpu.vector_store %arg9[%swap3A_74, %swap3A_75], %broadcast_in_dim3A_24 {strides = array<i32>} : memref<1252x64xf32, #tpu.memory_space<vmem>>, vector<16xf32>,
      %swap3A_77 = arith.index_cast %scan3A_67 : i32 to index
      %swap3A_78 = arith.constant 48 : index
      %swap3A_79 = tpu.vector_load %arg9[%swap3A_77, %swap3A_78] {strides = array<i32>} : memref<1252x64xf32, #tpu.memory_space<vmem>>, vector<16xf32>,
      tpu.vector_store %arg9[%swap3A_77, %swap3A_78], %broadcast_in_dim3A_24 {strides = array<i32>} : memref<1252x64xf32, #tpu.memory_space<vmem>>, vector<16xf32>,
      %scan3A_80 = arith.constant 0 : i32
      scf.yield %scan3A_80 : i32
    }
    %scan3A_30 = arith.constant 1252 : i32
    %add3A_31 = arith.constant 0 : i32
    %add3A_32 = arith.addi %mul3A_23, %add3A_31 : i32
    %mul3A_33 = arith.constant 128 : i32
    %mul3A_34 = arith.muli %add3A_32, %mul3A_33 : i32
    %dma_start3A = arith.constant 0 : i32
    %dma_start3A_35 = tpu.memref_slice %arg5[%dma_start3A] : memref<144xi32, #tpu.memory_space<vmem>> -> memref<128xi32, #tpu.memory_space<vmem>>
    %dma_start3A_36 = tpu.memref_slice %arg2[%mul3A_34] : memref<323584xi32, #tpu.memory_space<hbm>> -> memref<128xi32, #tpu.memory_space<hbm>>
    %dma_start3A_37 = arith.constant 0 : i32
    %dma_start3A_38 = tpu.memref_slice %arg5[%dma_start3A_37] : memref<144xi32, #tpu.memory_space<vmem>> -> memref<128xi32, #tpu.memory_space<vmem>>
    %dma_start3A_39 = tpu.memref_slice %arg2[%mul3A_34] : memref<323584xi32, #tpu.memory_space<hbm>> -> memref<128xi32, #tpu.memory_space<hbm>>
    tpu.enqueue_dma source(%dma_start3A_39 : memref<128xi32, #tpu.memory_space<hbm>>) target(%dma_start3A_38 : memref<128xi32, #tpu.memory_space<vmem>>) target_semaphore(%arg10 : memref<!tpu.dma_semaphore, #tpu.memory_space<semaphore_mem>>)
    %dma_start3A_40 = arith.constant 0 : i32
    %dma_start3A_41 = tpu.memref_slice %arg3[%mul3A_34, %dma_start3A_40] : memref<323584x64xf32, #tpu.memory_space<hbm>> -> memref<128x64xf32, #tpu.memory_space<hbm>>
    %dma_start3A_42 = arith.constant 0 : i32
    %dma_start3A_43 = tpu.memref_slice %arg3[%mul3A_34, %dma_start3A_42] : memref<323584x64xf32, #tpu.memory_space<hbm>> -> memref<128x64xf32, #tpu.memory_space<hbm>>
    tpu.enqueue_dma source(%dma_start3A_43 : memref<128x64xf32, #tpu.memory_space<hbm>>) target(%arg7 : memref<128x64xf32, #tpu.memory_space<vmem>>) target_semaphore(%arg11 : memref<!tpu.dma_semaphore, #tpu.memory_space<semaphore_mem>>)
    %scan3A_44 = arith.constant 0 : i32
    %scan3A_45 = arith.constant 0 : i32
    %scan3A_46 = arith.constant 313 : i32
    %scan3A_47 = arith.addi %scan3A_45, %scan3A_46 : i32
    %scan3A_48 = arith.constant 1 : i32
    %scan3A_49 = scf.for %scan3A_67 = %scan3A_45 to %scan3A_47 step %scan3A_48 iter_args(%scan3A_68 = %scan3A_44) -> (i32)  : i32 {
      %mul3A_69 = arith.constant 2 : i32
      %mul3A_70 = arith.muli %scan3A_67, %mul3A_69 : i32
      %add3A_71 = arith.constant 1 : i32
      %add3A_72 = arith.addi %mul3A_70, %add3A_71 : i32
      %min3A = arith.constant 624 : i32
      %min3A_73 = arith.minsi %add3A_72, %min3A : i32
      %add3A_74 = arith.addi %mul3A_23, %min3A_73 : i32
      %mul3A_75 = arith.constant 128 : i32
      %mul3A_76 = arith.muli %add3A_74, %mul3A_75 : i32
      %dma_start3A_77 = arith.constant 0 : i32
      %dma_start3A_78 = tpu.memref_slice %arg6[%dma_start3A_77] : memref<144xi32, #tpu.memory_space<vmem>> -> memref<128xi32, #tpu.memory_space<vmem>>
      %dma_start3A_79 = tpu.memref_slice %arg2[%mul3A_76] : memref<323584xi32, #tpu.memory_space<hbm>> -> memref<128xi32, #tpu.memory_space<hbm>>
      %dma_start3A_80 = arith.constant 0 : i32
      %dma_start3A_81 = tpu.memref_slice %arg6[%dma_start3A_80] : memref<144xi32, #tpu.memory_space<vmem>> -> memref<128xi32, #tpu.memory_space<vmem>>
      %dma_start3A_82 = tpu.memref_slice %arg2[%mul3A_76] : memref<323584xi32, #tpu.memory_space<hbm>> -> memref<128xi32, #tpu.memory_space<hbm>>
      tpu.enqueue_dma source(%dma_start3A_82 : memref<128xi32, #tpu.memory_space<hbm>>) target(%dma_start3A_81 : memref<128xi32, #tpu.memory_space<vmem>>) target_semaphore(%arg12 : memref<!tpu.dma_semaphore, #tpu.memory_space<semaphore_mem>>)
      %dma_start3A_83 = arith.constant 0 : i32
      %dma_start3A_84 = tpu.memref_slice %arg3[%mul3A_76, %dma_start3A_83] : memref<323584x64xf32, #tpu.memory_space<hbm>> -> memref<128x64xf32, #tpu.memory_space<hbm>>
      %dma_start3A_85 = arith.constant 0 : i32
      %dma_start3A_86 = tpu.memref_slice %arg3[%mul3A_76, %dma_start3A_85] : memref<323584x64xf32, #tpu.memory_space<hbm>> -> memref<128x64xf32, #tpu.memory_space<hbm>>
      tpu.enqueue_dma source(%dma_start3A_86 : memref<128x64xf32, #tpu.memory_space<hbm>>) target(%arg8 : memref<128x64xf32, #tpu.memory_space<vmem>>) target_semaphore(%arg13 : memref<!tpu.dma_semaphore, #tpu.memory_space<semaphore_mem>>)
      %add3A_87 = arith.addi %mul3A_23, %mul3A_70 : i32
      %mul3A_88 = arith.constant 128 : i32
      %mul3A_89 = arith.muli %add3A_87, %mul3A_88 : i32
      %dma_wait3A_90 = arith.constant 0 : i32
      %dma_wait3A_91 = tpu.memref_slice %arg5[%dma_wait3A_90] : memref<144xi32, #tpu.memory_space<vmem>> -> memref<128xi32, #tpu.memory_space<vmem>>
      %dma_wait3A_92 = tpu.memref_slice %arg2[%mul3A_89] : memref<323584xi32, #tpu.memory_space<hbm>> -> memref<128xi32, #tpu.memory_space<hbm>>
      %dma_wait3A_93 = arith.constant 0 : i32
      %dma_wait3A_94 = tpu.memref_slice %arg5[%dma_wait3A_93] : memref<144xi32, #tpu.memory_space<vmem>> -> memref<128xi32, #tpu.memory_space<vmem>>
      %dma_wait3A_95 = tpu.memref_slice %arg2[%mul3A_89] : memref<323584xi32, #tpu.memory_space<hbm>> -> memref<128xi32, #tpu.memory_space<hbm>>
      tpu.wait_dma2 semaphore(%arg10 : memref<!tpu.dma_semaphore, #tpu.memory_space<semaphore_mem>>) src(%dma_wait3A_95 : memref<128xi32, #tpu.memory_space<hbm>>) dst(%dma_wait3A_94 : memref<128xi32, #tpu.memory_space<vmem>>)
      %dma_wait3A_96 = arith.constant 0 : i32
      %dma_wait3A_97 = tpu.memref_slice %arg3[%mul3A_89, %dma_wait3A_96] : memref<323584x64xf32, #tpu.memory_space<hbm>> -> memref<128x64xf32, #tpu.memory_space<hbm>>
      %dma_wait3A_98 = arith.constant 0 : i32
      %dma_wait3A_99 = tpu.memref_slice %arg3[%mul3A_89, %dma_wait3A_98] : memref<323584x64xf32, #tpu.memory_space<hbm>> -> memref<128x64xf32, #tpu.memory_space<hbm>>
      tpu.wait_dma2 semaphore(%arg11 : memref<!tpu.dma_semaphore, #tpu.memory_space<semaphore_mem>>) src(%dma_wait3A_99 : memref<128x64xf32, #tpu.memory_space<hbm>>) dst(%arg7 : memref<128x64xf32, #tpu.memory_space<vmem>>)
      %scan3A_100 = arith.constant 0 : i32
      %scan3A_101 = arith.constant 0 : i32
      %scan3A_102 = arith.constant 8 : i32
      %scan3A_103 = arith.addi %scan3A_101, %scan3A_102 : i32
      %scan3A_104 = arith.constant 1 : i32
      %scan3A_105 = scf.for %scan3A_149 = %scan3A_101 to %scan3A_103 step %scan3A_104 iter_args(%scan3A_150 = %scan3A_100) -> (i32)  : i32 {
        %mul3A_151 = arith.constant 16 : i32
        %mul3A_152 = arith.muli %scan3A_149, %mul3A_151 : i32
        %get3A = arith.index_cast %mul3A_152 : i32 to index
        %get3A_153 = tpu.vector_load %arg5[%get3A] {strides = array<i32>} : memref<144xi32, #tpu.memory_space<vmem>>, vector<16xi32>,
        %sub3A_154 = vector.broadcast %mul3A_21 : i32 to vector<16xi32>
        %sub3A_155 = arith.subi %get3A_153, %sub3A_154 : vector<16xi32>
        %ge3A = arith.constant 0 : i32
        %ge3A_156 = vector.broadcast %ge3A : i32 to vector<16xi32>
        %ge3A_157 = arith.cmpi sge, %sub3A_155, %ge3A_156 : vector<16xi32>
        %lt3A = arith.constant 1252 : i32
        %lt3A_158 = vector.broadcast %lt3A : i32 to vector<16xi32>
        %lt3A_159 = arith.cmpi slt, %sub3A_155, %lt3A_158 : vector<16xi32>
        %and3A_160 = arith.andi %ge3A_157, %lt3A_159 : vector<16xi1>
        %reduce_or3A = arith.constant 1.000000e+00 : f32
        %reduce_or3A_161 = arith.constant 0.000000e+00 : f32
        %reduce_or3A_162 = vector.broadcast %reduce_or3A : f32 to vector<16xf32>
        %reduce_or3A_163 = vector.broadcast %reduce_or3A_161 : f32 to vector<16xf32>
        %reduce_or3A_164 = arith.select %and3A_160, %reduce_or3A_162, %reduce_or3A_163 : vector<16xi1>, vector<16xf32>
        %reduce_or3A_165 = arith.constant true
        %reduce_or3A_166 = vector.broadcast %reduce_or3A_165 : i1 to vector<16xi1>
        %reduce_or3A_167 = tpu.scan <max>, %reduce_or3A_164 masked %reduce_or3A_166 : vector<16xf32>, vector<16xi1> -> vector<16xf32>
        %reduce_or3A_168 = vector.extract %reduce_or3A_167[15] : f32 from vector<16xf32>
        %reduce_or3A_169 = arith.constant 0.000000e+00 : f32
        %reduce_or3A_170 = arith.cmpf ogt, %reduce_or3A_168, %reduce_or3A_169 : f32
        %convert_element_type3A = arith.extui %reduce_or3A_170 : i1 to i32
        %cond3A = arith.constant 0 : i32
        %cond3A_171 = arith.cmpi ne, %convert_element_type3A, %cond3A : i32
        scf.if %cond3A_171 {
          %scan3A_173 = arith.constant 0 : i32
          %scan3A_174 = arith.constant 0 : i32
          %scan3A_175 = arith.constant 16 : i32
          %scan3A_176 = arith.addi %scan3A_174, %scan3A_175 : i32
          %scan3A_177 = arith.constant 1 : i32
          %scan3A_178 = scf.for %scan3A_180 = %scan3A_174 to %scan3A_176 step %scan3A_177 iter_args(%scan3A_181 = %scan3A_173) -> (i32)  : i32 {
            %mul3A_182 = arith.constant 16 : i32
            %mul3A_183 = arith.muli %scan3A_149, %mul3A_182 : i32
            %add3A_184 = arith.addi %mul3A_183, %scan3A_180 : i32
            %get3A_185 = arith.index_cast %add3A_184 : i32 to index
            %get3A_186 = tpu.vector_load %arg5[%get3A_185] {strides = array<i32>} : memref<144xi32, #tpu.memory_space<vmem>>, vector<16xi32>,
            %slice3A = vector.extract_strided_slice %get3A_186 {offsets = [0], sizes = [1], strides = [1]} : vector<16xi32> to vector<1xi32>
            %squeeze3A = vector.extract %slice3A[0] : i32 from vector<1xi32>
            %sub3A_187 = arith.subi %squeeze3A, %mul3A_21 : i32
            %ge3A_188 = arith.constant 0 : i32
            %ge3A_189 = arith.cmpi sge, %sub3A_187, %ge3A_188 : i32
            %lt3A_190 = arith.constant 1252 : i32
            %lt3A_191 = arith.cmpi slt, %sub3A_187, %lt3A_190 : i32
            %and3A_192 = arith.andi %ge3A_189, %lt3A_191 : i1
            %convert_element_type3A_193 = arith.extui %and3A_192 : i1 to i32
            %cond3A_194 = arith.constant 0 : i32
            %cond3A_195 = arith.cmpi ne, %convert_element_type3A_193, %cond3A_194 : i32
            scf.if %cond3A_195 {
              %mul3A_197 = arith.constant 16 : i32
              %mul3A_198 = arith.muli %scan3A_149, %mul3A_197 : i32
              %add3A_199 = arith.addi %mul3A_198, %scan3A_180 : i32
              %get3A_200 = arith.index_cast %sub3A_187 : i32 to index
              %get3A_201 = arith.constant 0 : index
              %get3A_202 = tpu.vector_load %arg9[%get3A_200, %get3A_201] {strides = array<i32>} : memref<1252x64xf32, #tpu.memory_space<vmem>>, vector<16xf32>,
              %get3A_203 = arith.index_cast %add3A_199 : i32 to index
              %get3A_204 = arith.constant 0 : index
              %get3A_205 = tpu.vector_load %arg7[%get3A_203, %get3A_204] {strides = array<i32>} : memref<128x64xf32, #tpu.memory_space<vmem>>, vector<16xf32>,
              %max3A = arith.maximumf %get3A_202, %get3A_205 : vector<16xf32>
              %swap3A = arith.index_cast %sub3A_187 : i32 to index
              %swap3A_206 = arith.constant 0 : index
              %swap3A_207 = tpu.vector_load %arg9[%swap3A, %swap3A_206] {strides = array<i32>} : memref<1252x64xf32, #tpu.memory_space<vmem>>, vector<16xf32>,
              tpu.vector_store %arg9[%swap3A, %swap3A_206], %max3A {strides = array<i32>} : memref<1252x64xf32, #tpu.memory_space<vmem>>, vector<16xf32>,
              %get3A_208 = arith.index_cast %sub3A_187 : i32 to index
              %get3A_209 = arith.constant 16 : index
              %get3A_210 = tpu.vector_load %arg9[%get3A_208, %get3A_209] {strides = array<i32>} : memref<1252x64xf32, #tpu.memory_space<vmem>>, vector<16xf32>,
              %get3A_211 = arith.index_cast %add3A_199 : i32 to index
              %get3A_212 = arith.constant 16 : index
              %get3A_213 = tpu.vector_load %arg7[%get3A_211, %get3A_212] {strides = array<i32>} : memref<128x64xf32, #tpu.memory_space<vmem>>, vector<16xf32>,
              %max3A_214 = arith.maximumf %get3A_210, %get3A_213 : vector<16xf32>
              %swap3A_215 = arith.index_cast %sub3A_187 : i32 to index
              %swap3A_216 = arith.constant 16 : index
              %swap3A_217 = tpu.vector_load %arg9[%swap3A_215, %swap3A_216] {strides = array<i32>} : memref<1252x64xf32, #tpu.memory_space<vmem>>, vector<16xf32>,
              tpu.vector_store %arg9[%swap3A_215, %swap3A_216], %max3A_214 {strides = array<i32>} : memref<1252x64xf32, #tpu.memory_space<vmem>>, vector<16xf32>,
              %get3A_218 = arith.index_cast %sub3A_187 : i32 to index
              %get3A_219 = arith.constant 32 : index
              %get3A_220 = tpu.vector_load %arg9[%get3A_218, %get3A_219] {strides = array<i32>} : memref<1252x64xf32, #tpu.memory_space<vmem>>, vector<16xf32>,
              %get3A_221 = arith.index_cast %add3A_199 : i32 to index
              %get3A_222 = arith.constant 32 : index
              %get3A_223 = tpu.vector_load %arg7[%get3A_221, %get3A_222] {strides = array<i32>} : memref<128x64xf32, #tpu.memory_space<vmem>>, vector<16xf32>,
              %max3A_224 = arith.maximumf %get3A_220, %get3A_223 : vector<16xf32>
              %swap3A_225 = arith.index_cast %sub3A_187 : i32 to index
              %swap3A_226 = arith.constant 32 : index
              %swap3A_227 = tpu.vector_load %arg9[%swap3A_225, %swap3A_226] {strides = array<i32>} : memref<1252x64xf32, #tpu.memory_space<vmem>>, vector<16xf32>,
              tpu.vector_store %arg9[%swap3A_225, %swap3A_226], %max3A_224 {strides = array<i32>} : memref<1252x64xf32, #tpu.memory_space<vmem>>, vector<16xf32>,
              %get3A_228 = arith.index_cast %sub3A_187 : i32 to index
              %get3A_229 = arith.constant 48 : index
              %get3A_230 = tpu.vector_load %arg9[%get3A_228, %get3A_229] {strides = array<i32>} : memref<1252x64xf32, #tpu.memory_space<vmem>>, vector<16xf32>,
              %get3A_231 = arith.index_cast %add3A_199 : i32 to index
              %get3A_232 = arith.constant 48 : index
              %get3A_233 = tpu.vector_load %arg7[%get3A_231, %get3A_232] {strides = array<i32>} : memref<128x64xf32, #tpu.memory_space<vmem>>, vector<16xf32>,
              %max3A_234 = arith.maximumf %get3A_230, %get3A_233 : vector<16xf32>
              %swap3A_235 = arith.index_cast %sub3A_187 : i32 to index
              %swap3A_236 = arith.constant 48 : index
              %swap3A_237 = tpu.vector_load %arg9[%swap3A_235, %swap3A_236] {strides = array<i32>} : memref<1252x64xf32, #tpu.memory_space<vmem>>, vector<16xf32>,
              tpu.vector_store %arg9[%swap3A_235, %swap3A_236], %max3A_234 {strides = array<i32>} : memref<1252x64xf32, #tpu.memory_space<vmem>>, vector<16xf32>,
            } else {
            }
            %scan3A_196 = arith.constant 0 : i32
            scf.yield %scan3A_196 : i32
          }
          %scan3A_179 = arith.constant 16 : i32
        } else {
        }
        %scan3A_172 = arith.constant 0 : i32
        scf.yield %scan3A_172 : i32
      }
      %scan3A_106 = arith.constant 8 : i32
      %add3A_107 = arith.constant 2 : i32
      %add3A_108 = arith.addi %mul3A_70, %add3A_107 : i32
      %min3A_109 = arith.constant 624 : i32
      %min3A_110 = arith.minsi %add3A_108, %min3A_109 : i32
      %add3A_111 = arith.addi %mul3A_23, %min3A_110 : i32
      %mul3A_112 = arith.constant 128 : i32
      %mul3A_113 = arith.muli %add3A_111, %mul3A_112 : i32
      %dma_start3A_114 = arith.constant 0 : i32
      %dma_start3A_115 = tpu.memref_slice %arg5[%dma_start3A_114] : memref<144xi32, #tpu.memory_space<vmem>> -> memref<128xi32, #tpu.memory_space<vmem>>
      %dma_start3A_116 = tpu.memref_slice %arg2[%mul3A_113] : memref<323584xi32, #tpu.memory_space<hbm>> -> memref<128xi32, #tpu.memory_space<hbm>>
      %dma_start3A_117 = arith.constant 0 : i32
      %dma_start3A_118 = tpu.memref_slice %arg5[%dma_start3A_117] : memref<144xi32, #tpu.memory_space<vmem>> -> memref<128xi32, #tpu.memory_space<vmem>>
      %dma_start3A_119 = tpu.memref_slice %arg2[%mul3A_113] : memref<323584xi32, #tpu.memory_space<hbm>> -> memref<128xi32, #tpu.memory_space<hbm>>
      tpu.enqueue_dma source(%dma_start3A_119 : memref<128xi32, #tpu.memory_space<hbm>>) target(%dma_start3A_118 : memref<128xi32, #tpu.memory_space<vmem>>) target_semaphore(%arg10 : memref<!tpu.dma_semaphore, #tpu.memory_space<semaphore_mem>>)
      %dma_start3A_120 = arith.constant 0 : i32
      %dma_start3A_121 = tpu.memref_slice %arg3[%mul3A_113, %dma_start3A_120] : memref<323584x64xf32, #tpu.memory_space<hbm>> -> memref<128x64xf32, #tpu.memory_space<hbm>>
      %dma_start3A_122 = arith.constant 0 : i32
      %dma_start3A_123 = tpu.memref_slice %arg3[%mul3A_113, %dma_start3A_122] : memref<323584x64xf32, #tpu.memory_space<hbm>> -> memref<128x64xf32, #tpu.memory_space<hbm>>
      tpu.enqueue_dma source(%dma_start3A_123 : memref<128x64xf32, #tpu.memory_space<hbm>>) target(%arg7 : memref<128x64xf32, #tpu.memory_space<vmem>>) target_semaphore(%arg11 : memref<!tpu.dma_semaphore, #tpu.memory_space<semaphore_mem>>)
      %add3A_124 = arith.constant 1 : i32
      %add3A_125 = arith.addi %mul3A_70, %add3A_124 : i32
      %min3A_126 = arith.constant 624 : i32
      %min3A_127 = arith.minsi %add3A_125, %min3A_126 : i32
      %add3A_128 = arith.addi %mul3A_23, %min3A_127 : i32
      %mul3A_129 = arith.constant 128 : i32
      %mul3A_130 = arith.muli %add3A_128, %mul3A_129 : i32
      %dma_wait3A_131 = arith.constant 0 : i32
      %dma_wait3A_132 = tpu.memref_slice %arg6[%dma_wait3A_131] : memref<144xi32, #tpu.memory_space<vmem>> -> memref<128xi32, #tpu.memory_space<vmem>>
      %dma_wait3A_133 = tpu.memref_slice %arg2[%mul3A_130] : memref<323584xi32, #tpu.memory_space<hbm>> -> memref<128xi32, #tpu.memory_space<hbm>>
      %dma_wait3A_134 = arith.constant 0 : i32
      %dma_wait3A_135 = tpu.memref_slice %arg6[%dma_wait3A_134] : memref<144xi32, #tpu.memory_space<vmem>> -> memref<128xi32, #tpu.memory_space<vmem>>
      %dma_wait3A_136 = tpu.memref_slice %arg2[%mul3A_130] : memref<323584xi32, #tpu.memory_space<hbm>> -> memref<128xi32, #tpu.memory_space<hbm>>
      tpu.wait_dma2 semaphore(%arg12 : memref<!tpu.dma_semaphore, #tpu.memory_space<semaphore_mem>>) src(%dma_wait3A_136 : memref<128xi32, #tpu.memory_space<hbm>>) dst(%dma_wait3A_135 : memref<128xi32, #tpu.memory_space<vmem>>)
      %dma_wait3A_137 = arith.constant 0 : i32
      %dma_wait3A_138 = tpu.memref_slice %arg3[%mul3A_130, %dma_wait3A_137] : memref<323584x64xf32, #tpu.memory_space<hbm>> -> memref<128x64xf32, #tpu.memory_space<hbm>>
      %dma_wait3A_139 = arith.constant 0 : i32
      %dma_wait3A_140 = tpu.memref_slice %arg3[%mul3A_130, %dma_wait3A_139] : memref<323584x64xf32, #tpu.memory_space<hbm>> -> memref<128x64xf32, #tpu.memory_space<hbm>>
      tpu.wait_dma2 semaphore(%arg13 : memref<!tpu.dma_semaphore, #tpu.memory_space<semaphore_mem>>) src(%dma_wait3A_140 : memref<128x64xf32, #tpu.memory_space<hbm>>) dst(%arg8 : memref<128x64xf32, #tpu.memory_space<vmem>>)
      %scan3A_141 = arith.constant 0 : i32
      %scan3A_142 = arith.constant 0 : i32
      %scan3A_143 = arith.constant 8 : i32
      %scan3A_144 = arith.addi %scan3A_142, %scan3A_143 : i32
      %scan3A_145 = arith.constant 1 : i32
      %scan3A_146 = scf.for %scan3A_149 = %scan3A_142 to %scan3A_144 step %scan3A_145 iter_args(%scan3A_150 = %scan3A_141) -> (i32)  : i32 {
        %mul3A_151 = arith.constant 16 : i32
        %mul3A_152 = arith.muli %scan3A_149, %mul3A_151 : i32
        %get3A = arith.index_cast %mul3A_152 : i32 to index
        %get3A_153 = tpu.vector_load %arg6[%get3A] {strides = array<i32>} : memref<144xi32, #tpu.memory_space<vmem>>, vector<16xi32>,
        %sub3A_154 = vector.broadcast %mul3A_21 : i32 to vector<16xi32>
        %sub3A_155 = arith.subi %get3A_153, %sub3A_154 : vector<16xi32>
        %ge3A = arith.constant 0 : i32
        %ge3A_156 = vector.broadcast %ge3A : i32 to vector<16xi32>
        %ge3A_157 = arith.cmpi sge, %sub3A_155, %ge3A_156 : vector<16xi32>
        %lt3A = arith.constant 1252 : i32
        %lt3A_158 = vector.broadcast %lt3A : i32 to vector<16xi32>
        %lt3A_159 = arith.cmpi slt, %sub3A_155, %lt3A_158 : vector<16xi32>
        %and3A_160 = arith.andi %ge3A_157, %lt3A_159 : vector<16xi1>
        %reduce_or3A = arith.constant 1.000000e+00 : f32
        %reduce_or3A_161 = arith.constant 0.000000e+00 : f32
        %reduce_or3A_162 = vector.broadcast %reduce_or3A : f32 to vector<16xf32>
        %reduce_or3A_163 = vector.broadcast %reduce_or3A_161 : f32 to vector<16xf32>
        %reduce_or3A_164 = arith.select %and3A_160, %reduce_or3A_162, %reduce_or3A_163 : vector<16xi1>, vector<16xf32>
        %reduce_or3A_165 = arith.constant true
        %reduce_or3A_166 = vector.broadcast %reduce_or3A_165 : i1 to vector<16xi1>
        %reduce_or3A_167 = tpu.scan <max>, %reduce_or3A_164 masked %reduce_or3A_166 : vector<16xf32>, vector<16xi1> -> vector<16xf32>
        %reduce_or3A_168 = vector.extract %reduce_or3A_167[15] : f32 from vector<16xf32>
        %reduce_or3A_169 = arith.constant 0.000000e+00 : f32
        %reduce_or3A_170 = arith.cmpf ogt, %reduce_or3A_168, %reduce_or3A_169 : f32
        %convert_element_type3A = arith.extui %reduce_or3A_170 : i1 to i32
        %cond3A = arith.constant 0 : i32
        %cond3A_171 = arith.cmpi ne, %convert_element_type3A, %cond3A : i32
        scf.if %cond3A_171 {
          %scan3A_173 = arith.constant 0 : i32
          %scan3A_174 = arith.constant 0 : i32
          %scan3A_175 = arith.constant 16 : i32
          %scan3A_176 = arith.addi %scan3A_174, %scan3A_175 : i32
          %scan3A_177 = arith.constant 1 : i32
          %scan3A_178 = scf.for %scan3A_180 = %scan3A_174 to %scan3A_176 step %scan3A_177 iter_args(%scan3A_181 = %scan3A_173) -> (i32)  : i32 {
            %mul3A_182 = arith.constant 16 : i32
            %mul3A_183 = arith.muli %scan3A_149, %mul3A_182 : i32
            %add3A_184 = arith.addi %mul3A_183, %scan3A_180 : i32
            %get3A_185 = arith.index_cast %add3A_184 : i32 to index
            %get3A_186 = tpu.vector_load %arg6[%get3A_185] {strides = array<i32>} : memref<144xi32, #tpu.memory_space<vmem>>, vector<16xi32>,
            %slice3A = vector.extract_strided_slice %get3A_186 {offsets = [0], sizes = [1], strides = [1]} : vector<16xi32> to vector<1xi32>
            %squeeze3A = vector.extract %slice3A[0] : i32 from vector<1xi32>
            %sub3A_187 = arith.subi %squeeze3A, %mul3A_21 : i32
            %ge3A_188 = arith.constant 0 : i32
            %ge3A_189 = arith.cmpi sge, %sub3A_187, %ge3A_188 : i32
            %lt3A_190 = arith.constant 1252 : i32
            %lt3A_191 = arith.cmpi slt, %sub3A_187, %lt3A_190 : i32
            %and3A_192 = arith.andi %ge3A_189, %lt3A_191 : i1
            %convert_element_type3A_193 = arith.extui %and3A_192 : i1 to i32
            %cond3A_194 = arith.constant 0 : i32
            %cond3A_195 = arith.cmpi ne, %convert_element_type3A_193, %cond3A_194 : i32
            scf.if %cond3A_195 {
              %mul3A_197 = arith.constant 16 : i32
              %mul3A_198 = arith.muli %scan3A_149, %mul3A_197 : i32
              %add3A_199 = arith.addi %mul3A_198, %scan3A_180 : i32
              %get3A_200 = arith.index_cast %sub3A_187 : i32 to index
              %get3A_201 = arith.constant 0 : index
              %get3A_202 = tpu.vector_load %arg9[%get3A_200, %get3A_201] {strides = array<i32>} : memref<1252x64xf32, #tpu.memory_space<vmem>>, vector<16xf32>,
              %get3A_203 = arith.index_cast %add3A_199 : i32 to index
              %get3A_204 = arith.constant 0 : index
              %get3A_205 = tpu.vector_load %arg8[%get3A_203, %get3A_204] {strides = array<i32>} : memref<128x64xf32, #tpu.memory_space<vmem>>, vector<16xf32>,
              %max3A = arith.maximumf %get3A_202, %get3A_205 : vector<16xf32>
              %swap3A = arith.index_cast %sub3A_187 : i32 to index
              %swap3A_206 = arith.constant 0 : index
              %swap3A_207 = tpu.vector_load %arg9[%swap3A, %swap3A_206] {strides = array<i32>} : memref<1252x64xf32, #tpu.memory_space<vmem>>, vector<16xf32>,
              tpu.vector_store %arg9[%swap3A, %swap3A_206], %max3A {strides = array<i32>} : memref<1252x64xf32, #tpu.memory_space<vmem>>, vector<16xf32>,
              %get3A_208 = arith.index_cast %sub3A_187 : i32 to index
              %get3A_209 = arith.constant 16 : index
              %get3A_210 = tpu.vector_load %arg9[%get3A_208, %get3A_209] {strides = array<i32>} : memref<1252x64xf32, #tpu.memory_space<vmem>>, vector<16xf32>,
              %get3A_211 = arith.index_cast %add3A_199 : i32 to index
              %get3A_212 = arith.constant 16 : index
              %get3A_213 = tpu.vector_load %arg8[%get3A_211, %get3A_212] {strides = array<i32>} : memref<128x64xf32, #tpu.memory_space<vmem>>, vector<16xf32>,
              %max3A_214 = arith.maximumf %get3A_210, %get3A_213 : vector<16xf32>
              %swap3A_215 = arith.index_cast %sub3A_187 : i32 to index
              %swap3A_216 = arith.constant 16 : index
              %swap3A_217 = tpu.vector_load %arg9[%swap3A_215, %swap3A_216] {strides = array<i32>} : memref<1252x64xf32, #tpu.memory_space<vmem>>, vector<16xf32>,
              tpu.vector_store %arg9[%swap3A_215, %swap3A_216], %max3A_214 {strides = array<i32>} : memref<1252x64xf32, #tpu.memory_space<vmem>>, vector<16xf32>,
              %get3A_218 = arith.index_cast %sub3A_187 : i32 to index
              %get3A_219 = arith.constant 32 : index
              %get3A_220 = tpu.vector_load %arg9[%get3A_218, %get3A_219] {strides = array<i32>} : memref<1252x64xf32, #tpu.memory_space<vmem>>, vector<16xf32>,
              %get3A_221 = arith.index_cast %add3A_199 : i32 to index
              %get3A_222 = arith.constant 32 : index
              %get3A_223 = tpu.vector_load %arg8[%get3A_221, %get3A_222] {strides = array<i32>} : memref<128x64xf32, #tpu.memory_space<vmem>>, vector<16xf32>,
              %max3A_224 = arith.maximumf %get3A_220, %get3A_223 : vector<16xf32>
              %swap3A_225 = arith.index_cast %sub3A_187 : i32 to index
              %swap3A_226 = arith.constant 32 : index
              %swap3A_227 = tpu.vector_load %arg9[%swap3A_225, %swap3A_226] {strides = array<i32>} : memref<1252x64xf32, #tpu.memory_space<vmem>>, vector<16xf32>,
              tpu.vector_store %arg9[%swap3A_225, %swap3A_226], %max3A_224 {strides = array<i32>} : memref<1252x64xf32, #tpu.memory_space<vmem>>, vector<16xf32>,
              %get3A_228 = arith.index_cast %sub3A_187 : i32 to index
              %get3A_229 = arith.constant 48 : index
              %get3A_230 = tpu.vector_load %arg9[%get3A_228, %get3A_229] {strides = array<i32>} : memref<1252x64xf32, #tpu.memory_space<vmem>>, vector<16xf32>,
              %get3A_231 = arith.index_cast %add3A_199 : i32 to index
              %get3A_232 = arith.constant 48 : index
              %get3A_233 = tpu.vector_load %arg8[%get3A_231, %get3A_232] {strides = array<i32>} : memref<128x64xf32, #tpu.memory_space<vmem>>, vector<16xf32>,
              %max3A_234 = arith.maximumf %get3A_230, %get3A_233 : vector<16xf32>
              %swap3A_235 = arith.index_cast %sub3A_187 : i32 to index
              %swap3A_236 = arith.constant 48 : index
              %swap3A_237 = tpu.vector_load %arg9[%swap3A_235, %swap3A_236] {strides = array<i32>} : memref<1252x64xf32, #tpu.memory_space<vmem>>, vector<16xf32>,
              tpu.vector_store %arg9[%swap3A_235, %swap3A_236], %max3A_234 {strides = array<i32>} : memref<1252x64xf32, #tpu.memory_space<vmem>>, vector<16xf32>,
            } else {
            }
            %scan3A_196 = arith.constant 0 : i32
            scf.yield %scan3A_196 : i32
          }
          %scan3A_179 = arith.constant 16 : i32
        } else {
        }
        %scan3A_172 = arith.constant 0 : i32
        scf.yield %scan3A_172 : i32
      }
      %scan3A_147 = arith.constant 8 : i32
      %scan3A_148 = arith.constant 0 : i32
      scf.yield %scan3A_148 : i32
    }
    %scan3A_50 = arith.constant 313 : i32
    %add3A_51 = arith.constant 0 : i32
    %add3A_52 = arith.addi %mul3A_23, %add3A_51 : i32
    %mul3A_53 = arith.constant 128 : i32
    %mul3A_54 = arith.muli %add3A_52, %mul3A_53 : i32
    %dma_wait3A = arith.constant 0 : i32
    %dma_wait3A_55 = tpu.memref_slice %arg5[%dma_wait3A] : memref<144xi32, #tpu.memory_space<vmem>> -> memref<128xi32, #tpu.memory_space<vmem>>
    %dma_wait3A_56 = tpu.memref_slice %arg2[%mul3A_54] : memref<323584xi32, #tpu.memory_space<hbm>> -> memref<128xi32, #tpu.memory_space<hbm>>
    %dma_wait3A_57 = arith.constant 0 : i32
    %dma_wait3A_58 = tpu.memref_slice %arg5[%dma_wait3A_57] : memref<144xi32, #tpu.memory_space<vmem>> -> memref<128xi32, #tpu.memory_space<vmem>>
    %dma_wait3A_59 = tpu.memref_slice %arg2[%mul3A_54] : memref<323584xi32, #tpu.memory_space<hbm>> -> memref<128xi32, #tpu.memory_space<hbm>>
    tpu.wait_dma2 semaphore(%arg10 : memref<!tpu.dma_semaphore, #tpu.memory_space<semaphore_mem>>) src(%dma_wait3A_59 : memref<128xi32, #tpu.memory_space<hbm>>) dst(%dma_wait3A_58 : memref<128xi32, #tpu.memory_space<vmem>>)
    %dma_wait3A_60 = arith.constant 0 : i32
    %dma_wait3A_61 = tpu.memref_slice %arg3[%mul3A_54, %dma_wait3A_60] : memref<323584x64xf32, #tpu.memory_space<hbm>> -> memref<128x64xf32, #tpu.memory_space<hbm>>
    %dma_wait3A_62 = arith.constant 0 : i32
    %dma_wait3A_63 = tpu.memref_slice %arg3[%mul3A_54, %dma_wait3A_62] : memref<323584x64xf32, #tpu.memory_space<hbm>> -> memref<128x64xf32, #tpu.memory_space<hbm>>
    tpu.wait_dma2 semaphore(%arg11 : memref<!tpu.dma_semaphore, #tpu.memory_space<semaphore_mem>>) src(%dma_wait3A_63 : memref<128x64xf32, #tpu.memory_space<hbm>>) dst(%arg7 : memref<128x64xf32, #tpu.memory_space<vmem>>)
    %mul3A_64 = arith.constant 10016 : i32
    %mul3A_65 = arith.muli %select_n3A, %mul3A_64 : i32
    %add3A_66 = arith.addi %mul3A_65, %mul3A_21 : i32
    "tpu.region"() ({
      %run_scoped3A = tpu.sem_alloc : memref<!tpu.dma_semaphore, #tpu.memory_space<semaphore_mem>>
      %dma_start3A_67 = arith.constant 0 : i32
      %dma_start3A_68 = tpu.memref_slice %arg4[%add3A_66, %dma_start3A_67] : memref<40064x64xf32, #tpu.memory_space<hbm>> -> memref<1252x64xf32, #tpu.memory_space<hbm>>
      %dma_start3A_69 = arith.constant 0 : i32
      %dma_start3A_70 = tpu.memref_slice %arg4[%add3A_66, %dma_start3A_69] : memref<40064x64xf32, #tpu.memory_space<hbm>> -> memref<1252x64xf32, #tpu.memory_space<hbm>>
      tpu.enqueue_dma source(%arg9 : memref<1252x64xf32, #tpu.memory_space<vmem>>) target(%dma_start3A_70 : memref<1252x64xf32, #tpu.memory_space<hbm>>) target_semaphore(%run_scoped3A : memref<!tpu.dma_semaphore, #tpu.memory_space<semaphore_mem>>)
      %dma_wait3A_71 = arith.constant 0 : i32
      %dma_wait3A_72 = tpu.memref_slice %arg4[%add3A_66, %dma_wait3A_71] : memref<40064x64xf32, #tpu.memory_space<hbm>> -> memref<1252x64xf32, #tpu.memory_space<hbm>>
      %dma_wait3A_73 = arith.constant 0 : i32
      %dma_wait3A_74 = tpu.memref_slice %arg4[%add3A_66, %dma_wait3A_73] : memref<40064x64xf32, #tpu.memory_space<hbm>> -> memref<1252x64xf32, #tpu.memory_space<hbm>>
      tpu.wait_dma2 semaphore(%run_scoped3A : memref<!tpu.dma_semaphore, #tpu.memory_space<semaphore_mem>>) src(%arg9 : memref<1252x64xf32, #tpu.memory_space<vmem>>) dst(%dma_wait3A_74 : memref<1252x64xf32, #tpu.memory_space<hbm>>)
      tpu.yield
    }) : () -> ()
    return
  }
}

#map = affine_map<(d0, d1) -> (0, 0)>
#map1 = affine_map<(d0, d1) -> (0)>
module attributes {stable_mosaic.version = 14 : i64} {
  func.func @_sc_gather_body(%arg0: i32, %arg1: i32, %arg2: memref<10000x64xf32, #tpu.memory_space<hbm>>, %arg3: memref<10000x64xf32, #tpu.memory_space<hbm>>, %arg4: memref<323584xi32, #tpu.memory_space<hbm>>, %arg5: memref<323584xi32, #tpu.memory_space<hbm>>, %arg6: memref<323584x64xf32, #tpu.memory_space<hbm>>, %arg7: memref<128xi32, #tpu.memory_space<vmem>>, %arg8: memref<128xi32, #tpu.memory_space<vmem>>, %arg9: memref<128x64xf32, #tpu.memory_space<vmem>>, %arg10: memref<128x64xf32, #tpu.memory_space<vmem>>, %arg11: memref<!tpu.dma_semaphore, #tpu.memory_space<semaphore_mem>>, %arg12: memref<!tpu.dma_semaphore, #tpu.memory_space<semaphore_mem>>) attributes {dimension_semantics = [#tpu.dimension_semantics<core_parallel>, #tpu.dimension_semantics<subcore_parallel>], iteration_bounds = array<i64: 2, 16>, scalar_prefetch = 0 : i64, scratch_operands = 6 : i64, tpu.core_type = #tpu.core_type<sc_vector_subcore>, window_params = [{transform_indices = #map}, {transform_indices = #map}, {transform_indices = #map1}, {transform_indices = #map1}, {transform_indices = #map}]} {
    %mul3A = arith.constant 2 : i32
    %mul3A_0 = arith.muli %arg1, %mul3A : i32
    %add3A = arith.addi %mul3A_0, %arg0 : i32
    %scan3A = arith.constant 0 : i32
    %scan3A_1 = arith.constant 0 : i32
    %scan3A_2 = arith.constant 79 : i32
    %scan3A_3 = arith.addi %scan3A_1, %scan3A_2 : i32
    %scan3A_4 = arith.constant 1 : i32
    %scan3A_5 = scf.for %scan3A_7 = %scan3A_1 to %scan3A_3 step %scan3A_4 iter_args(%scan3A_8 = %scan3A) -> (i32)  : i32 {
      %mul3A_9 = arith.constant 10112 : i32
      %mul3A_10 = arith.muli %add3A, %mul3A_9 : i32
      %mul3A_11 = arith.constant 128 : i32
      %mul3A_12 = arith.muli %scan3A_7, %mul3A_11 : i32
      %add3A_13 = arith.addi %mul3A_10, %mul3A_12 : i32
      "tpu.region"() ({
        %run_scoped3A = tpu.sem_alloc : memref<!tpu.dma_semaphore, #tpu.memory_space<semaphore_mem>>
        %dma_start3A_32 = tpu.memref_slice %arg4[%add3A_13] : memref<323584xi32, #tpu.memory_space<hbm>> -> memref<128xi32, #tpu.memory_space<hbm>>
        %dma_start3A_33 = tpu.memref_slice %arg4[%add3A_13] : memref<323584xi32, #tpu.memory_space<hbm>> -> memref<128xi32, #tpu.memory_space<hbm>>
        tpu.enqueue_dma source(%dma_start3A_33 : memref<128xi32, #tpu.memory_space<hbm>>) target(%arg7 : memref<128xi32, #tpu.memory_space<vmem>>) target_semaphore(%run_scoped3A : memref<!tpu.dma_semaphore, #tpu.memory_space<semaphore_mem>>)
        %dma_wait3A_34 = tpu.memref_slice %arg4[%add3A_13] : memref<323584xi32, #tpu.memory_space<hbm>> -> memref<128xi32, #tpu.memory_space<hbm>>
        %dma_wait3A_35 = tpu.memref_slice %arg4[%add3A_13] : memref<323584xi32, #tpu.memory_space<hbm>> -> memref<128xi32, #tpu.memory_space<hbm>>
        tpu.wait_dma2 semaphore(%run_scoped3A : memref<!tpu.dma_semaphore, #tpu.memory_space<semaphore_mem>>) src(%dma_wait3A_35 : memref<128xi32, #tpu.memory_space<hbm>>) dst(%arg7 : memref<128xi32, #tpu.memory_space<vmem>>)
        tpu.yield
      }) : () -> ()
      "tpu.region"() ({
        %run_scoped3A = tpu.sem_alloc : memref<!tpu.dma_semaphore, #tpu.memory_space<semaphore_mem>>
        %dma_start3A_32 = tpu.memref_slice %arg5[%add3A_13] : memref<323584xi32, #tpu.memory_space<hbm>> -> memref<128xi32, #tpu.memory_space<hbm>>
        %dma_start3A_33 = tpu.memref_slice %arg5[%add3A_13] : memref<323584xi32, #tpu.memory_space<hbm>> -> memref<128xi32, #tpu.memory_space<hbm>>
        tpu.enqueue_dma source(%dma_start3A_33 : memref<128xi32, #tpu.memory_space<hbm>>) target(%arg8 : memref<128xi32, #tpu.memory_space<vmem>>) target_semaphore(%run_scoped3A : memref<!tpu.dma_semaphore, #tpu.memory_space<semaphore_mem>>)
        %dma_wait3A_34 = tpu.memref_slice %arg5[%add3A_13] : memref<323584xi32, #tpu.memory_space<hbm>> -> memref<128xi32, #tpu.memory_space<hbm>>
        %dma_wait3A_35 = tpu.memref_slice %arg5[%add3A_13] : memref<323584xi32, #tpu.memory_space<hbm>> -> memref<128xi32, #tpu.memory_space<hbm>>
        tpu.wait_dma2 semaphore(%run_scoped3A : memref<!tpu.dma_semaphore, #tpu.memory_space<semaphore_mem>>) src(%dma_wait3A_35 : memref<128xi32, #tpu.memory_space<hbm>>) dst(%arg8 : memref<128xi32, #tpu.memory_space<vmem>>)
        tpu.yield
      }) : () -> ()
      %dma_start3A = arith.constant 0 : i32
      %dma_start3A_14 = arith.constant 0 : i32
      %dma_start3A_15 = tpu.memref_slice %arg2[%dma_start3A, %dma_start3A_14] : memref<10000x64xf32, #tpu.memory_space<hbm>> -> memref<10000x64xf32, #tpu.memory_space<hbm>>
      tpu.enqueue_indirect_dma source(%dma_start3A_15 : memref<10000x64xf32, #tpu.memory_space<hbm>>) target(%arg9 : memref<128x64xf32, #tpu.memory_space<vmem>>) offsets(%arg7 : memref<128xi32, #tpu.memory_space<vmem>>) semaphore(%arg11 : memref<!tpu.dma_semaphore, #tpu.memory_space<semaphore_mem>>)
      %dma_start3A_16 = arith.constant 0 : i32
      %dma_start3A_17 = arith.constant 0 : i32
      %dma_start3A_18 = tpu.memref_slice %arg3[%dma_start3A_16, %dma_start3A_17] : memref<10000x64xf32, #tpu.memory_space<hbm>> -> memref<10000x64xf32, #tpu.memory_space<hbm>>
      tpu.enqueue_indirect_dma source(%dma_start3A_18 : memref<10000x64xf32, #tpu.memory_space<hbm>>) target(%arg10 : memref<128x64xf32, #tpu.memory_space<vmem>>) offsets(%arg8 : memref<128xi32, #tpu.memory_space<vmem>>) semaphore(%arg12 : memref<!tpu.dma_semaphore, #tpu.memory_space<semaphore_mem>>)
      %dma_wait3A = arith.constant 0 : i32
      %dma_wait3A_19 = arith.constant 0 : i32
      %dma_wait3A_20 = tpu.memref_slice %arg2[%dma_wait3A, %dma_wait3A_19] : memref<10000x64xf32, #tpu.memory_space<hbm>> -> memref<10000x64xf32, #tpu.memory_space<hbm>>
      tpu.wait_indirect_dma semaphore(%arg11 : memref<!tpu.dma_semaphore, #tpu.memory_space<semaphore_mem>>) src(%dma_wait3A_20 : memref<10000x64xf32, #tpu.memory_space<hbm>>) dst(%arg9 : memref<128x64xf32, #tpu.memory_space<vmem>>)
      %dma_wait3A_21 = arith.constant 0 : i32
      %dma_wait3A_22 = arith.constant 0 : i32
      %dma_wait3A_23 = tpu.memref_slice %arg3[%dma_wait3A_21, %dma_wait3A_22] : memref<10000x64xf32, #tpu.memory_space<hbm>> -> memref<10000x64xf32, #tpu.memory_space<hbm>>
      tpu.wait_indirect_dma semaphore(%arg12 : memref<!tpu.dma_semaphore, #tpu.memory_space<semaphore_mem>>) src(%dma_wait3A_23 : memref<10000x64xf32, #tpu.memory_space<hbm>>) dst(%arg10 : memref<128x64xf32, #tpu.memory_space<vmem>>)
      %scan3A_24 = arith.constant 0 : i32
      %scan3A_25 = arith.constant 0 : i32
      %scan3A_26 = arith.constant 128 : i32
      %scan3A_27 = arith.addi %scan3A_25, %scan3A_26 : i32
      %scan3A_28 = arith.constant 1 : i32
      %scan3A_29 = scf.for %scan3A_32 = %scan3A_25 to %scan3A_27 step %scan3A_28 iter_args(%scan3A_33 = %scan3A_24) -> (i32)  : i32 {
        %get3A = arith.index_cast %scan3A_32 : i32 to index
        %get3A_34 = arith.constant 0 : index
        %get3A_35 = tpu.vector_load %arg9[%get3A, %get3A_34] {strides = array<i32>} : memref<128x64xf32, #tpu.memory_space<vmem>>, vector<16xf32>,
        %get3A_36 = arith.index_cast %scan3A_32 : i32 to index
        %get3A_37 = arith.constant 0 : index
        %get3A_38 = tpu.vector_load %arg10[%get3A_36, %get3A_37] {strides = array<i32>} : memref<128x64xf32, #tpu.memory_space<vmem>>, vector<16xf32>,
        %sub3A = arith.subf %get3A_35, %get3A_38 : vector<16xf32>
        %max3A = arith.constant 0.000000e+00 : f32
        %max3A_39 = vector.broadcast %max3A : f32 to vector<16xf32>
        %max3A_40 = arith.maximumf %sub3A, %max3A_39 : vector<16xf32>
        %swap3A = arith.index_cast %scan3A_32 : i32 to index
        %swap3A_41 = arith.constant 0 : index
        %swap3A_42 = tpu.vector_load %arg9[%swap3A, %swap3A_41] {strides = array<i32>} : memref<128x64xf32, #tpu.memory_space<vmem>>, vector<16xf32>,
        tpu.vector_store %arg9[%swap3A, %swap3A_41], %max3A_40 {strides = array<i32>} : memref<128x64xf32, #tpu.memory_space<vmem>>, vector<16xf32>,
        %get3A_43 = arith.index_cast %scan3A_32 : i32 to index
        %get3A_44 = arith.constant 16 : index
        %get3A_45 = tpu.vector_load %arg9[%get3A_43, %get3A_44] {strides = array<i32>} : memref<128x64xf32, #tpu.memory_space<vmem>>, vector<16xf32>,
        %get3A_46 = arith.index_cast %scan3A_32 : i32 to index
        %get3A_47 = arith.constant 16 : index
        %get3A_48 = tpu.vector_load %arg10[%get3A_46, %get3A_47] {strides = array<i32>} : memref<128x64xf32, #tpu.memory_space<vmem>>, vector<16xf32>,
        %sub3A_49 = arith.subf %get3A_45, %get3A_48 : vector<16xf32>
        %max3A_50 = arith.constant 0.000000e+00 : f32
        %max3A_51 = vector.broadcast %max3A_50 : f32 to vector<16xf32>
        %max3A_52 = arith.maximumf %sub3A_49, %max3A_51 : vector<16xf32>
        %swap3A_53 = arith.index_cast %scan3A_32 : i32 to index
        %swap3A_54 = arith.constant 16 : index
        %swap3A_55 = tpu.vector_load %arg9[%swap3A_53, %swap3A_54] {strides = array<i32>} : memref<128x64xf32, #tpu.memory_space<vmem>>, vector<16xf32>,
        tpu.vector_store %arg9[%swap3A_53, %swap3A_54], %max3A_52 {strides = array<i32>} : memref<128x64xf32, #tpu.memory_space<vmem>>, vector<16xf32>,
        %get3A_56 = arith.index_cast %scan3A_32 : i32 to index
        %get3A_57 = arith.constant 32 : index
        %get3A_58 = tpu.vector_load %arg9[%get3A_56, %get3A_57] {strides = array<i32>} : memref<128x64xf32, #tpu.memory_space<vmem>>, vector<16xf32>,
        %get3A_59 = arith.index_cast %scan3A_32 : i32 to index
        %get3A_60 = arith.constant 32 : index
        %get3A_61 = tpu.vector_load %arg10[%get3A_59, %get3A_60] {strides = array<i32>} : memref<128x64xf32, #tpu.memory_space<vmem>>, vector<16xf32>,
        %sub3A_62 = arith.subf %get3A_58, %get3A_61 : vector<16xf32>
        %max3A_63 = arith.constant 0.000000e+00 : f32
        %max3A_64 = vector.broadcast %max3A_63 : f32 to vector<16xf32>
        %max3A_65 = arith.maximumf %sub3A_62, %max3A_64 : vector<16xf32>
        %swap3A_66 = arith.index_cast %scan3A_32 : i32 to index
        %swap3A_67 = arith.constant 32 : index
        %swap3A_68 = tpu.vector_load %arg9[%swap3A_66, %swap3A_67] {strides = array<i32>} : memref<128x64xf32, #tpu.memory_space<vmem>>, vector<16xf32>,
        tpu.vector_store %arg9[%swap3A_66, %swap3A_67], %max3A_65 {strides = array<i32>} : memref<128x64xf32, #tpu.memory_space<vmem>>, vector<16xf32>,
        %get3A_69 = arith.index_cast %scan3A_32 : i32 to index
        %get3A_70 = arith.constant 48 : index
        %get3A_71 = tpu.vector_load %arg9[%get3A_69, %get3A_70] {strides = array<i32>} : memref<128x64xf32, #tpu.memory_space<vmem>>, vector<16xf32>,
        %get3A_72 = arith.index_cast %scan3A_32 : i32 to index
        %get3A_73 = arith.constant 48 : index
        %get3A_74 = tpu.vector_load %arg10[%get3A_72, %get3A_73] {strides = array<i32>} : memref<128x64xf32, #tpu.memory_space<vmem>>, vector<16xf32>,
        %sub3A_75 = arith.subf %get3A_71, %get3A_74 : vector<16xf32>
        %max3A_76 = arith.constant 0.000000e+00 : f32
        %max3A_77 = vector.broadcast %max3A_76 : f32 to vector<16xf32>
        %max3A_78 = arith.maximumf %sub3A_75, %max3A_77 : vector<16xf32>
        %swap3A_79 = arith.index_cast %scan3A_32 : i32 to index
        %swap3A_80 = arith.constant 48 : index
        %swap3A_81 = tpu.vector_load %arg9[%swap3A_79, %swap3A_80] {strides = array<i32>} : memref<128x64xf32, #tpu.memory_space<vmem>>, vector<16xf32>,
        tpu.vector_store %arg9[%swap3A_79, %swap3A_80], %max3A_78 {strides = array<i32>} : memref<128x64xf32, #tpu.memory_space<vmem>>, vector<16xf32>,
        %scan3A_82 = arith.constant 0 : i32
        scf.yield %scan3A_82 : i32
      }
      %scan3A_30 = arith.constant 128 : i32
      "tpu.region"() ({
        %run_scoped3A = tpu.sem_alloc : memref<!tpu.dma_semaphore, #tpu.memory_space<semaphore_mem>>
        %dma_start3A_32 = arith.constant 0 : i32
        %dma_start3A_33 = tpu.memref_slice %arg6[%add3A_13, %dma_start3A_32] : memref<323584x64xf32, #tpu.memory_space<hbm>> -> memref<128x64xf32, #tpu.memory_space<hbm>>
        %dma_start3A_34 = arith.constant 0 : i32
        %dma_start3A_35 = tpu.memref_slice %arg6[%add3A_13, %dma_start3A_34] : memref<323584x64xf32, #tpu.memory_space<hbm>> -> memref<128x64xf32, #tpu.memory_space<hbm>>
        tpu.enqueue_dma source(%arg9 : memref<128x64xf32, #tpu.memory_space<vmem>>) target(%dma_start3A_35 : memref<128x64xf32, #tpu.memory_space<hbm>>) target_semaphore(%run_scoped3A : memref<!tpu.dma_semaphore, #tpu.memory_space<semaphore_mem>>)
        %dma_wait3A_36 = arith.constant 0 : i32
        %dma_wait3A_37 = tpu.memref_slice %arg6[%add3A_13, %dma_wait3A_36] : memref<323584x64xf32, #tpu.memory_space<hbm>> -> memref<128x64xf32, #tpu.memory_space<hbm>>
        %dma_wait3A_38 = arith.constant 0 : i32
        %dma_wait3A_39 = tpu.memref_slice %arg6[%add3A_13, %dma_wait3A_38] : memref<323584x64xf32, #tpu.memory_space<hbm>> -> memref<128x64xf32, #tpu.memory_space<hbm>>
        tpu.wait_dma2 semaphore(%run_scoped3A : memref<!tpu.dma_semaphore, #tpu.memory_space<semaphore_mem>>) src(%arg9 : memref<128x64xf32, #tpu.memory_space<vmem>>) dst(%dma_wait3A_39 : memref<128x64xf32, #tpu.memory_space<hbm>>)
        tpu.yield
      }) : () -> ()
      %scan3A_31 = arith.constant 0 : i32
      scf.yield %scan3A_31 : i32
    }
    %scan3A_6 = arith.constant 79 : i32
    return
  }
}

module attributes {stable_mosaic.version = 14 : i64} {
  func.func @_pre_body(%arg0: i32, %arg1: memref<2000x128xf32, #tpu.memory_space<vmem>>, %arg2: memref<2000x3xf32, #tpu.memory_space<vmem>>, %arg3: memref<2000x3xf32, #tpu.memory_space<vmem>>, %arg4: memref<128x64xf32, #tpu.memory_space<vmem>>, %arg5: memref<3x64xf32, #tpu.memory_space<vmem>>, %arg6: memref<1x64xf32, #tpu.memory_space<vmem>>, %arg7: memref<2000x64xf32, #tpu.memory_space<vmem>>, %arg8: memref<2000x64xf32, #tpu.memory_space<vmem>>) attributes {dimension_semantics = [#tpu.dimension_semantics<arbitrary>], iteration_bounds = array<i64: 5>, scalar_prefetch = 0 : i64, scratch_operands = 0 : i64, tpu.core_type = #tpu.core_type<tc>, window_params = [{transform_indices = @transform_0, window_bounds = array<i64: 2000, 128>}, {transform_indices = @transform_1, window_bounds = array<i64: 2000, 3>}, {transform_indices = @transform_2, window_bounds = array<i64: 2000, 3>}, {pipeline_mode = #tpu.pipeline_mode<synchronous>, transform_indices = @transform_3, window_bounds = array<i64: 128, 64>}, {pipeline_mode = #tpu.pipeline_mode<synchronous>, transform_indices = @transform_4, window_bounds = array<i64: 3, 64>}, {pipeline_mode = #tpu.pipeline_mode<synchronous>, transform_indices = @transform_5, window_bounds = array<i64: 1, 64>}, {transform_indices = @transform_6, window_bounds = array<i64: 2000, 64>}, {transform_indices = @transform_7, window_bounds = array<i64: 2000, 64>}]} {
    %get3A = arith.constant 0 : index
    %get3A_0 = arith.constant 0 : index
    %get3A_1 = vector.load %arg5[%get3A, %get3A_0] : memref<3x64xf32, #tpu.memory_space<vmem>>, vector<3x64xf32>
    %get3A_2 = arith.constant 0 : index
    %get3A_3 = arith.constant 0 : index
    %get3A_4 = vector.load %arg1[%get3A_2, %get3A_3] : memref<2000x128xf32, #tpu.memory_space<vmem>>, vector<2000x128xf32>
    %get3A_5 = arith.constant 0 : index
    %get3A_6 = arith.constant 0 : index
    %get3A_7 = vector.load %arg4[%get3A_5, %get3A_6] : memref<128x64xf32, #tpu.memory_space<vmem>>, vector<128x64xf32>
    %dot_general3A = arith.constant dense<0.000000e+00> : vector<2000x64xf32>
    %dot_general3A_8 = tpu.matmul %get3A_4, %get3A_7, %dot_general3A {dimension_numbers = #tpu.dot_dimension_numbers<[1], [0], [0], [1], [0, 0, 1, 1], [], []>, transpose_lhs_hint = false} : vector<2000x128xf32>, vector<128x64xf32>, vector<2000x64xf32> -> vector<2000x64xf32>
    %get3A_9 = arith.constant 0 : index
    %get3A_10 = arith.constant 0 : index
    %get3A_11 = vector.load %arg2[%get3A_9, %get3A_10] : memref<2000x3xf32, #tpu.memory_space<vmem>>, vector<2000x3xf32>
    %dot_general3A_12 = arith.constant dense<0.000000e+00> : vector<2000x64xf32>
    %dot_general3A_13 = tpu.matmul %get3A_11, %get3A_1, %dot_general3A_12 {dimension_numbers = #tpu.dot_dimension_numbers<[1], [0], [0], [1], [0, 0, 1, 1], [], []>, transpose_lhs_hint = false} : vector<2000x3xf32>, vector<3x64xf32>, vector<2000x64xf32> -> vector<2000x64xf32>
    %add3A = arith.addf %dot_general3A_8, %dot_general3A_13 : vector<2000x64xf32>
    %get3A_14 = arith.constant 0 : index
    %get3A_15 = arith.constant 0 : index
    %get3A_16 = vector.load %arg6[%get3A_14, %get3A_15] : memref<1x64xf32, #tpu.memory_space<vmem>>, vector<1x64xf32>
    %add3A_17 = vector.broadcast %get3A_16 : vector<1x64xf32> to vector<2000x64xf32>
    %add3A_18 = arith.addf %add3A, %add3A_17 : vector<2000x64xf32>
    %swap3A = arith.constant 0 : index
    %swap3A_19 = arith.constant 0 : index
    %swap3A_20 = vector.load %arg7[%swap3A, %swap3A_19] : memref<2000x64xf32, #tpu.memory_space<vmem>>, vector<2000x64xf32>
    tpu.vector_store %arg7[%swap3A, %swap3A_19], %add3A_18 {strides = array<i32>} : memref<2000x64xf32, #tpu.memory_space<vmem>>, vector<2000x64xf32>,
    %get3A_21 = arith.constant 0 : index
    %get3A_22 = arith.constant 0 : index
    %get3A_23 = vector.load %arg3[%get3A_21, %get3A_22] : memref<2000x3xf32, #tpu.memory_space<vmem>>, vector<2000x3xf32>
    %dot_general3A_24 = arith.constant dense<0.000000e+00> : vector<2000x64xf32>
    %dot_general3A_25 = tpu.matmul %get3A_23, %get3A_1, %dot_general3A_24 {dimension_numbers = #tpu.dot_dimension_numbers<[1], [0], [0], [1], [0, 0, 1, 1], [], []>, transpose_lhs_hint = false} : vector<2000x3xf32>, vector<3x64xf32>, vector<2000x64xf32> -> vector<2000x64xf32>
    %swap3A_26 = arith.constant 0 : index
    %swap3A_27 = arith.constant 0 : index
    %swap3A_28 = vector.load %arg8[%swap3A_26, %swap3A_27] : memref<2000x64xf32, #tpu.memory_space<vmem>>, vector<2000x64xf32>
    tpu.vector_store %arg8[%swap3A_26, %swap3A_27], %dot_general3A_25 {strides = array<i32>} : memref<2000x64xf32, #tpu.memory_space<vmem>>, vector<2000x64xf32>,
    return
  }
  func.func @transform_0(%arg0: i32) -> (i32, i32) {
    %c0_i32 = arith.constant 0 : i32
    %c0_i32_0 = arith.constant 0 : i32
    return %arg0, %c0_i32 : i32, i32
  }
  func.func @transform_1(%arg0: i32) -> (i32, i32) {
    %c0_i32 = arith.constant 0 : i32
    %c0_i32_0 = arith.constant 0 : i32
    return %arg0, %c0_i32 : i32, i32
  }
  func.func @transform_2(%arg0: i32) -> (i32, i32) {
    %c0_i32 = arith.constant 0 : i32
    %c0_i32_0 = arith.constant 0 : i32
    return %arg0, %c0_i32 : i32, i32
  }
  func.func @transform_3(%arg0: i32) -> (i32, i32) {
    %c0_i32 = arith.constant 0 : i32
    %c0_i32_0 = arith.constant 0 : i32
    %c0_i32_1 = arith.constant 0 : i32
    return %c0_i32, %c0_i32_0 : i32, i32
  }
  func.func @transform_4(%arg0: i32) -> (i32, i32) {
    %c0_i32 = arith.constant 0 : i32
    %c0_i32_0 = arith.constant 0 : i32
    %c0_i32_1 = arith.constant 0 : i32
    return %c0_i32, %c0_i32_0 : i32, i32
  }
  func.func @transform_5(%arg0: i32) -> (i32, i32) {
    %c0_i32 = arith.constant 0 : i32
    %c0_i32_0 = arith.constant 0 : i32
    %c0_i32_1 = arith.constant 0 : i32
    return %c0_i32, %c0_i32_0 : i32, i32
  }
  func.func @transform_6(%arg0: i32) -> (i32, i32) {
    %c0_i32 = arith.constant 0 : i32
    %c0_i32_0 = arith.constant 0 : i32
    return %arg0, %c0_i32 : i32, i32
  }
  func.func @transform_7(%arg0: i32) -> (i32, i32) {
    %c0_i32 = arith.constant 0 : i32
    %c0_i32_0 = arith.constant 0 : i32
    return %arg0, %c0_i32 : i32, i32
  }
}

module attributes {stable_mosaic.version = 14 : i64} {
  func.func @_mid_body(%arg0: i32, %arg1: memref<2048x64xf32, #tpu.memory_space<vmem>>, %arg2: memref<64x64xf32, #tpu.memory_space<vmem>>, %arg3: memref<1x64xf32, #tpu.memory_space<vmem>>, %arg4: memref<2048x64xf32, #tpu.memory_space<vmem>>) attributes {dimension_semantics = [#tpu.dimension_semantics<arbitrary>], iteration_bounds = array<i64: 158>, scalar_prefetch = 0 : i64, scratch_operands = 0 : i64, tpu.core_type = #tpu.core_type<tc>, window_params = [{transform_indices = @transform_0, window_bounds = array<i64: 2048, 64>}, {pipeline_mode = #tpu.pipeline_mode<synchronous>, transform_indices = @transform_1, window_bounds = array<i64: 64, 64>}, {pipeline_mode = #tpu.pipeline_mode<synchronous>, transform_indices = @transform_2, window_bounds = array<i64: 1, 64>}, {transform_indices = @transform_3, window_bounds = array<i64: 2048, 64>}]} {
    %get3A = arith.constant 0 : index
    %get3A_0 = arith.constant 0 : index
    %get3A_1 = vector.load %arg1[%get3A, %get3A_0] : memref<2048x64xf32, #tpu.memory_space<vmem>>, vector<2048x64xf32>
    %get3A_2 = arith.constant 0 : index
    %get3A_3 = arith.constant 0 : index
    %get3A_4 = vector.load %arg2[%get3A_2, %get3A_3] : memref<64x64xf32, #tpu.memory_space<vmem>>, vector<64x64xf32>
    %dot_general3A = arith.constant dense<0.000000e+00> : vector<2048x64xf32>
    %dot_general3A_5 = tpu.matmul %get3A_1, %get3A_4, %dot_general3A {dimension_numbers = #tpu.dot_dimension_numbers<[1], [0], [0], [1], [0, 0, 1, 1], [], []>, transpose_lhs_hint = false} : vector<2048x64xf32>, vector<64x64xf32>, vector<2048x64xf32> -> vector<2048x64xf32>
    %get3A_6 = arith.constant 0 : index
    %get3A_7 = arith.constant 0 : index
    %get3A_8 = vector.load %arg3[%get3A_6, %get3A_7] : memref<1x64xf32, #tpu.memory_space<vmem>>, vector<1x64xf32>
    %add3A = vector.broadcast %get3A_8 : vector<1x64xf32> to vector<2048x64xf32>
    %add3A_9 = arith.addf %dot_general3A_5, %add3A : vector<2048x64xf32>
    %max3A = arith.constant 0.000000e+00 : f32
    %max3A_10 = vector.broadcast %max3A : f32 to vector<2048x64xf32>
    %max3A_11 = arith.maximumf %add3A_9, %max3A_10 : vector<2048x64xf32>
    %swap3A = arith.constant 0 : index
    %swap3A_12 = arith.constant 0 : index
    %swap3A_13 = vector.load %arg4[%swap3A, %swap3A_12] : memref<2048x64xf32, #tpu.memory_space<vmem>>, vector<2048x64xf32>
    tpu.vector_store %arg4[%swap3A, %swap3A_12], %max3A_11 {strides = array<i32>} : memref<2048x64xf32, #tpu.memory_space<vmem>>, vector<2048x64xf32>,
    return
  }
  func.func @transform_0(%arg0: i32) -> (i32, i32) {
    %c0_i32 = arith.constant 0 : i32
    %c0_i32_0 = arith.constant 0 : i32
    return %arg0, %c0_i32 : i32, i32
  }
  func.func @transform_1(%arg0: i32) -> (i32, i32) {
    %c0_i32 = arith.constant 0 : i32
    %c0_i32_0 = arith.constant 0 : i32
    %c0_i32_1 = arith.constant 0 : i32
    return %c0_i32, %c0_i32_0 : i32, i32
  }
  func.func @transform_2(%arg0: i32) -> (i32, i32) {
    %c0_i32 = arith.constant 0 : i32
    %c0_i32_0 = arith.constant 0 : i32
    %c0_i32_1 = arith.constant 0 : i32
    return %c0_i32, %c0_i32_0 : i32, i32
  }
  func.func @transform_3(%arg0: i32) -> (i32, i32) {
    %c0_i32 = arith.constant 0 : i32
    %c0_i32_0 = arith.constant 0 : i32
    return %arg0, %c0_i32 : i32, i32
  }
}

module attributes {stable_mosaic.version = 14 : i64} {
  func.func @_out_body(%arg0: i32, %arg1: memref<2000x64xf32, #tpu.memory_space<vmem>>, %arg2: memref<2000x64xf32, #tpu.memory_space<vmem>>, %arg3: memref<2000x64xf32, #tpu.memory_space<vmem>>, %arg4: memref<2000x64xf32, #tpu.memory_space<vmem>>, %arg5: memref<64x128xf32, #tpu.memory_space<vmem>>, %arg6: memref<1x128xf32, #tpu.memory_space<vmem>>, %arg7: memref<2000x128xf32, #tpu.memory_space<vmem>>) attributes {dimension_semantics = [#tpu.dimension_semantics<arbitrary>], iteration_bounds = array<i64: 5>, scalar_prefetch = 0 : i64, scratch_operands = 0 : i64, tpu.core_type = #tpu.core_type<tc>, window_params = [{transform_indices = @transform_0, window_bounds = array<i64: 2000, 64>}, {transform_indices = @transform_1, window_bounds = array<i64: 2000, 64>}, {transform_indices = @transform_2, window_bounds = array<i64: 2000, 64>}, {transform_indices = @transform_3, window_bounds = array<i64: 2000, 64>}, {pipeline_mode = #tpu.pipeline_mode<synchronous>, transform_indices = @transform_4, window_bounds = array<i64: 64, 128>}, {pipeline_mode = #tpu.pipeline_mode<synchronous>, transform_indices = @transform_5, window_bounds = array<i64: 1, 128>}, {transform_indices = @transform_6, window_bounds = array<i64: 2000, 128>}]} {
    %get3A = arith.constant 0 : index
    %get3A_0 = arith.constant 0 : index
    %get3A_1 = vector.load %arg1[%get3A, %get3A_0] : memref<2000x64xf32, #tpu.memory_space<vmem>>, vector<2000x64xf32>
    %get3A_2 = arith.constant 0 : index
    %get3A_3 = arith.constant 0 : index
    %get3A_4 = vector.load %arg2[%get3A_2, %get3A_3] : memref<2000x64xf32, #tpu.memory_space<vmem>>, vector<2000x64xf32>
    %max3A = arith.maximumf %get3A_1, %get3A_4 : vector<2000x64xf32>
    %get3A_5 = arith.constant 0 : index
    %get3A_6 = arith.constant 0 : index
    %get3A_7 = vector.load %arg3[%get3A_5, %get3A_6] : memref<2000x64xf32, #tpu.memory_space<vmem>>, vector<2000x64xf32>
    %get3A_8 = arith.constant 0 : index
    %get3A_9 = arith.constant 0 : index
    %get3A_10 = vector.load %arg4[%get3A_8, %get3A_9] : memref<2000x64xf32, #tpu.memory_space<vmem>>, vector<2000x64xf32>
    %max3A_11 = arith.maximumf %get3A_7, %get3A_10 : vector<2000x64xf32>
    %max3A_12 = arith.maximumf %max3A, %max3A_11 : vector<2000x64xf32>
    %get3A_13 = arith.constant 0 : index
    %get3A_14 = arith.constant 0 : index
    %get3A_15 = vector.load %arg5[%get3A_13, %get3A_14] : memref<64x128xf32, #tpu.memory_space<vmem>>, vector<64x128xf32>
    %dot_general3A = arith.constant dense<0.000000e+00> : vector<2000x128xf32>
    %dot_general3A_16 = tpu.matmul %max3A_12, %get3A_15, %dot_general3A {dimension_numbers = #tpu.dot_dimension_numbers<[1], [0], [0], [1], [0, 0, 1, 1], [], []>, transpose_lhs_hint = false} : vector<2000x64xf32>, vector<64x128xf32>, vector<2000x128xf32> -> vector<2000x128xf32>
    %get3A_17 = arith.constant 0 : index
    %get3A_18 = arith.constant 0 : index
    %get3A_19 = vector.load %arg6[%get3A_17, %get3A_18] : memref<1x128xf32, #tpu.memory_space<vmem>>, vector<1x128xf32>
    %add3A = vector.broadcast %get3A_19 : vector<1x128xf32> to vector<2000x128xf32>
    %add3A_20 = arith.addf %dot_general3A_16, %add3A : vector<2000x128xf32>
    %max3A_21 = arith.constant 0.000000e+00 : f32
    %max3A_22 = vector.broadcast %max3A_21 : f32 to vector<2000x128xf32>
    %max3A_23 = arith.maximumf %add3A_20, %max3A_22 : vector<2000x128xf32>
    %swap3A = arith.constant 0 : index
    %swap3A_24 = arith.constant 0 : index
    %swap3A_25 = vector.load %arg7[%swap3A, %swap3A_24] : memref<2000x128xf32, #tpu.memory_space<vmem>>, vector<2000x128xf32>
    tpu.vector_store %arg7[%swap3A, %swap3A_24], %max3A_23 {strides = array<i32>} : memref<2000x128xf32, #tpu.memory_space<vmem>>, vector<2000x128xf32>,
    return
  }
  func.func @transform_0(%arg0: i32) -> (i32, i32) {
    %c0_i32 = arith.constant 0 : i32
    %c0_i32_0 = arith.constant 0 : i32
    return %arg0, %c0_i32 : i32, i32
  }
  func.func @transform_1(%arg0: i32) -> (i32, i32) {
    %c0_i32 = arith.constant 0 : i32
    %c0_i32_0 = arith.constant 0 : i32
    return %arg0, %c0_i32 : i32, i32
  }
  func.func @transform_2(%arg0: i32) -> (i32, i32) {
    %c0_i32 = arith.constant 0 : i32
    %c0_i32_0 = arith.constant 0 : i32
    return %arg0, %c0_i32 : i32, i32
  }
  func.func @transform_3(%arg0: i32) -> (i32, i32) {
    %c0_i32 = arith.constant 0 : i32
    %c0_i32_0 = arith.constant 0 : i32
    return %arg0, %c0_i32 : i32, i32
  }
  func.func @transform_4(%arg0: i32) -> (i32, i32) {
    %c0_i32 = arith.constant 0 : i32
    %c0_i32_0 = arith.constant 0 : i32
    %c0_i32_1 = arith.constant 0 : i32
    return %c0_i32, %c0_i32_0 : i32, i32
  }
  func.func @transform_5(%arg0: i32) -> (i32, i32) {
    %c0_i32 = arith.constant 0 : i32
    %c0_i32_0 = arith.constant 0 : i32
    %c0_i32_1 = arith.constant 0 : i32
    return %c0_i32, %c0_i32_0 : i32, i32
  }
  func.func @transform_6(%arg0: i32) -> (i32, i32) {
    %c0_i32 = arith.constant 0 : i32
    %c0_i32_0 = arith.constant 0 : i32
    return %arg0, %c0_i32 : i32, i32
  }
}

</mosaic_0001>

<sc_bundles>
// kernel: kernel.10.cloned.1.call-start
scs
__scs_entry_jumppad:
0x0: {  	(pc) =	sbr.rel $0x88, $3  }
0x1: {  	(tag) =	ssettag $0x0;
	lr =	simm.s32 $0x1  }
0x2: {  	[smem:$0x3F97] =	sst lr;
	_ =	strace $0xD0000000  }
0x3: {  	_ = 	snop  }
0x4: {  	_ = 	snop  }
0x5: {  	_ = 	snop  }
0x6: {  	_ = 	snop  }
0x7: {  	_ = 	snop  }
__scs_overlays_trampoline_lowered:
0x8: {  	[smem:$0x3FA6] =	sst s0  }
0x9: {  	[smem:$0x3FA7] =	sst s1  }
0xa: {  	[smem:$0x3FA8] =	sst s2  }
0xb: {  	[smem:$0x3FA9] =	sst s3  }
0xc: {  	[smem:$0x3FAA] =	sst s4  }
0xd: {  	[smem:$0x3FAB] =	sst s5  }
0xe: {  	[smem:$0x3FAC] =	sst s6  }
0xf: {  	[smem:$0x3FAD] =	sst s7  }
0x10: {  	[smem:$0x3FAE] =	sst s8  }
0x11: {  	[smem:$0x3FAF] =	sst s9;
	s0 =	simm.s32 @!p0 $0x0  }
0x12: {  	s1 =	sld [smem:$0x3F95];
	s0 =	simm.s32 @p0 $0x1  }
0x13: {  	[smem:$0x3FB0] =	sst s0;
	s0 =	simm.s32 @!p1 $0x0  }
0x14: {  	s2 =	sld [smem:$0x3F94];
	s0 =	simm.s32 @p1 $0x1  }
0x15: {  	[smem:$0x3FB1] =	sst s0;
	s0 =	simm.s32 @!p2 $0x0  }
0x16: {  	s3 =	sld [smem:$0x3FDB];
	s0 =	simm.s32 @p2 $0x1  }
0x17: {  	s4 =	simm.s32 $0x1BF5;
	[smem:$0x3FB3] =	sst s0  }
0x18: {  	s0 =	sld [smem:$0x3F96];
	_ =	swait.ge [sflag:s4], $0x0  }
0x19: {  	s7 =	sld [smem:$0x3F97]  }
0x1a: {  	s8 =	sadd.s32 $0xFFFFE003, lr  }
0x1b: {  	s9 =	sadd.s32 $0xFFFFFEF7, lr;
	s5 =	simm.s32 $0xFFFFFFFF;
	p2 =	slt.u32 s8, $0xFFFFF086  }
0x1c: {  	p1 =	slt.u32 s9, $0xF7A;
	s5 =	simm.s32 @!p2 $0x0  }
0x1d: {  	s5 =	simm.s32 @p1 $0x1;
	p0 =	seq.s32 s7, s2  }
0x1e: {  	s7 =	smul.u32 @!p0 $0xF7A, s2;
	p2 =	seq.s32 @!p0 s5, $0x0  }
0x1f: {  	s9 =	smul.u32 $0xF7A, s1;
	s8 =	simm.s32 @!p0 $0x1BF5;
	p2 =	por !p2, p0  }
0x20: {  	[sflag:s8] =	ssyncset.s32 @!p0 $0xFFFFF086;
	s6 =	sadd.s32 @!p0 s3, s7;
	s7 =	simm.s32 @!p0 $0x108  }
0x21: {  	s3 =	sadd.s32 s3, s9;
	s6 =	sadd.s32 @!p0 $0x88, s6;
	s7 =	simm.s32 @p2 $0x1082  }
0x22: {  	[simem:s7], [sflag:s8] =	dma.local @!p0 [hbm:s6], $0xF7A  }
0x23: {  	s9 =	sor.u32 $0xD0000000, s2;
	s6 =	simm.s32 $0x108;
	_ =	swait.ge @!p0 [sflag:s8], $0x0  }
0x24: {  	s3 =	sadd.s32 $0x88, s3;
	s6 =	simm.s32 @!p1 $0x1082;
	[sflag:s4] =	ssyncset.s32 $0xFFFFF086  }
0x25: {  	[simem:s6], [sflag:s4] =	dma.local [hbm:s3], $0xF7A  }
0x26: {  	[smem:$0x3F97] =	sst s1;
	(tag) =	ssettag s2;
	_ =	strace s9  }
0x27: {  	s1 =	sld [smem:$0x3FA7]  }
0x28: {  	s2 =	sld [smem:$0x3FA8]  }
0x29: {  	s4 =	sld [smem:$0x3FAA]  }
0x2a: {  	p0 =	seq.s32 s5, $0x0;
	s5 =	sld [smem:$0x3FAB]  }
0x2b: {  	s6 =	sld [smem:$0x3FAC]  }
0x2c: {  	s7 =	sld [smem:$0x3FAD]  }
0x2d: {  	s3 =	simm.s32 $0x108;
	s8 =	sld [smem:$0x3FAE]  }
0x2e: {  	s3 =	simm.s32 @!p0 $0x1082;
	s9 =	sld [smem:$0x3FAF]  }
0x2f: {  	lr =	sadd.s32 s0, s3;
	s0 =	sld [smem:$0x3FA6]  }
0x30: {  	s3 =	sld [smem:$0x3FA9]  }
0x31: {  	[smem:$0x3FB2] =	sst s10  }
0x32: {  	s10 =	sld [smem:$0x3FB0];
	_ =	sdelay $0x3  }
0x33: {  	p0 =	seq.s32 s10, $0x1;
	s10 =	sld [smem:$0x3FB2];
	_ =	sdelay $0x3  }
0x34: {  	[smem:$0x3FB2] =	sst s10  }
0x35: {  	s10 =	sld [smem:$0x3FB1];
	_ =	sdelay $0x3  }
0x36: {  	p1 =	seq.s32 s10, $0x1;
	s10 =	sld [smem:$0x3FB2];
	_ =	sdelay $0x3  }
0x37: {  	[smem:$0x3FB2] =	sst s10  }
0x38: {  	s10 =	sld [smem:$0x3FB3]  }
0x39: {  	_ = 	snop;
	(pc) =	sbr.ind lr, $3  }
0x3a: {  	_ = 	snop  }
0x3b: {  	_ = 	snop  }
0x3c: {  	p2 =	seq.s32 s10, $0x1;
	s10 =	sld [smem:$0x3FB2]  }
0x3d: {  	_ =	shalt  }
0x3e: {  	_ =	shalt  }
0x3f: {  	_ =	shalt  }
0x40: {  	_ =	shalt  }
0x41: {  	_ =	shalt  }
0x42: {  	_ =	shalt  }
0x43: {  	_ =	shalt  }
0x44: {  	_ =	shalt  }
0x45: {  	_ =	shalt  }
0x46: {  	_ =	shalt  }
0x47: {  	_ =	shalt  }
0x48: {  	_ =	shalt  }
0x49: {  	_ =	shalt  }
0x4a: {  	_ =	shalt  }
0x4b: {  	_ =	shalt  }
0x4c: {  	_ =	shalt  }
0x4d: {  	_ =	shalt  }
0x4e: {  	_ =	shalt  }
0x4f: {  	_ =	shalt  }
0x50: {  	_ =	shalt  }
0x51: {  	_ =	shalt  }
0x52: {  	_ =	shalt  }
0x53: {  	_ =	shalt  }
0x54: {  	_ =	shalt  }
0x55: {  	_ =	shalt  }
0x56: {  	_ =	shalt  }
0x57: {  	_ =	shalt  }
0x58: {  	_ =	shalt  }
0x59: {  	_ =	shalt  }
0x5a: {  	_ =	shalt  }
0x5b: {  	_ =	shalt  }
0x5c: {  	_ =	shalt  }
0x5d: {  	_ =	shalt  }
0x5e: {  	_ =	shalt  }
0x5f: {  	_ =	shalt  }
0x60: {  	_ =	shalt  }
0x61: {  	_ =	shalt  }
0x62: {  	_ =	shalt  }
0x63: {  	_ =	shalt  }
0x64: {  	_ =	shalt  }
0x65: {  	_ =	shalt  }
0x66: {  	_ =	shalt  }
0x67: {  	_ =	shalt  }
0x68: {  	_ =	shalt  }
0x69: {  	_ =	shalt  }
0x6a: {  	_ =	shalt  }
0x6b: {  	_ =	shalt  }
0x6c: {  	_ =	shalt  }
0x6d: {  	_ =	shalt  }
0x6e: {  	_ =	shalt  }
0x6f: {  	_ =	shalt  }
0x70: {  	_ =	shalt  }
0x71: {  	_ =	shalt  }
0x72: {  	_ =	shalt  }
0x73: {  	_ =	shalt  }
0x74: {  	_ =	shalt  }
0x75: {  	_ =	shalt  }
0x76: {  	_ =	shalt  }
0x77: {  	_ =	shalt  }
0x78: {  	_ =	shalt  }
0x79: {  	_ =	shalt  }
0x7a: {  	_ =	shalt  }
0x7b: {  	_ =	shalt  }
0x7c: {  	_ =	shalt  }
0x7d: {  	_ =	shalt  }
0x7e: {  	_ =	shalt  }
0x7f: {  	_ =	shalt  }
0x80: {  	_ =	shalt  }
0x81: {  	_ =	shalt  }
0x82: {  	_ =	shalt  }
0x83: {  	_ =	shalt  }
0x84: {  	_ =	shalt  }
0x85: {  	_ =	shalt  }
0x86: {  	_ =	shalt  }
0x87: {  	_ =	shalt  }
.Lfunc_end0:
.L_simem_size_0:
called_computation.1_lowered:
.L_overlay_start_0:
0x88: {  	s2 =	sld [smem:$0x3FD9]  }
0x89: {  	s3 =	sld [smem:$0x3FFE];
	_ =	sdelay $0x1  }
0x8a: {  	s1 =	srdreg.scid  }
0x8b: {  	s0 =	sand.u32 $0x1, s1  }
0x8c: {  	s16 =	sshll.u32 s0, $0xA;
	s2 =	sadd.s32 s3, s2  }
0x8d: {  	s2 =	sadd.s32 s2, s16  }
0x8e: {  	[smem:$0x3FBE] =	sst s2  }
0x8f: {  	_ = 	snop  }
0x90: {  	(tm) =	ssettm $0x1  }
0x91: {  	s17 =	sld [smem:$0x3FFB];
	_ =	sdelay $0x3  }
0x92: {  	_ =	strace s17  }
0x93: {  	s2 =	sld [smem:$0x3FFC];
	_ =	sdelay $0x3  }
0x94: {  	_ =	strace s2  }
0x95: {  	s2 =	sld [smem:$0x3FFD];
	_ =	sdelay $0x3  }
0x96: {  	_ =	strace s2  }
0x97: {  	_ =	strace $0x8FFFFFFF  }
0x98: {  	s18 =	sld [smem:$0x3FDB];
	_ =	sdelay $0x1  }
0x99: {  	s19 =	simm.s32 $_scs_section_size  }
0x9a: {  	s4 =	simm.s32 $_size__tile_overlayer_lowered;
	s5 =	simm.s32 $_tile_overlayer_lowered  }
0x9b: {  	s22 =	simm.s32 $0x1BFF;
	s21 =	sshll.u32 s5, $0x1;
	s2 =	sadd.s32 s19, s18  }
0x9c: {  	s6 =	simm.s32 $0x0;
	s20 =	sshll.u32 s4, $0x1;
	s4 =	sadd.s32 s21, s2  }
0x9d: {  	[timem:s6], [sflag:s22] =	dma.local [hbm:s4], s20  }
0x9e: {  	_ =	swait.ge [sflag:s22], s20  }
0x9f: {  	s3 =	ssub.s32 $0x0, s20;
	[sflag:s22] =	ssyncset.done $0x0  }
0xa0: {  	[sflag:s22] =	ssyncadd.s32 s3;
	_ =	sdelay $0x1  }
0xa1: {  	s23 =	simm.s32 $0x1B8B  }
0xa2: {  	_ =	swait.ge [sflag:s23], $0x1  }
0xa3: {  	[sflag:s23] =	ssyncset.done $0x0  }
0xa4: {  	s25 =	simm.s32 $0x1B8E;
	s24 =	sld [smem:$0x3FFE];
	[sflag:s23] =	ssyncadd.s32 $0xFFFFFFFF  }
0xa5: {  	s26 =	simm.s32 $execute0_lowered;
	[smem:$0x3FD2] =	sst s25  }
0xa6: {  	s4 =	sshll.u32 s26, $0x1;
	_ =	strace $0x80000049;
	[dreg:$0x1] =	wrdreg $0xFFFFFFFF  }
0xa7: {  	s28 =	simm.s32 $_size_execute0_lowered;
	s2 =	sadd.s32 s2, s4;
	[dreg:$0x0] =	wrdreg $0x0  }
0xa8: {  	s4 =	sshll.u32 s28, $0x1;
	[dreg:$0x2] =	wrdreg s2  }
0xa9: {  	[dreg:$0x3] =	wrdreg s4  }
0xaa: {  	[dreg:$0x4] =	wrdreg $0xC0  }
0xab: {  	_ =	task [dreg:s6], $0x5FFFF  }
0xac: {  	[dreg:$0x1] =	wrdreg $0xFFFFFFFF  }
0xad: {  	[dreg:$0x0] =	wrdreg $0x60  }
0xae: {  	[dreg:$0x2] =	wrdreg s24  }
0xaf: {  	[dreg:$0x3] =	wrdreg $0x9  }
0xb0: {  	_ =	task.clear_ibuf [dreg:s6], $0x4FFFF;
	_ =	strace $0x90000049  }
0xb1: {  	s29 =	simm.s32 $0x9;
	_ =	strace $0x8000004B  }
0xb2: {  	_ =	swait.ge [sflag:s29], $0x1  }
0xb3: {  	[sflag:s29] =	ssyncadd.s32 $0xFFFFFFFF  }
0xb4: {  	_ =	strace $0x9000004B  }
0xb5: {  	_ =	sfence  }
0xb6: {  	s30 =	sld [smem:$0x0];
	_ =	sdelay $0x2  }
0xb7: {  	s31 =	sshll.u32 s1, $0xD;
	s1 =	sshrl.u32 s1, $0x2  }
0xb8: {  	s3 =	sand.u32 $0x4000, s31;
	s1 =	sadd.s32 s1, s30  }
0xb9: {  	s0 =	sor.u32 s3, s0;
	s1 =	sshll.u32 s1, $0x11  }
0xba: {  	s0 =	sor.u32 s1, s0  }
0xbb: {  	s0 =	sadd.s32 $0x8F2B, s0  }
0xbc: {  	[sflag:s0] =	ssyncadd.remote.s32 $0x1  }
0xbd: {  	_ =	sfence.sel $0xFFFF  }
0xbe: {  	[dreg:$0x0] =	wrdreg $0xFFFFFFFF;
	(pc) =	sbr.abs _section_cstart, $3  }
0xbf: {  	[dreg:$0x1] =	wrdreg $0xFFFFFFFF  }
0xc0: {  	_ =	task.clear_ibuf [dreg:s6], $0x2FFFF;
	_ =	strace $0x9FFFFFFF  }
0xc1: {  	(tm) =	ssettm $0x7FFFFFFF  }
tec
execute0_lowered:
.L_overlay_start_1:
0x0: {  	(tag) =	ssettag $0x1  }
0x1: {  	s1 =	srdreg.scid  }
0x2: {  	s0 =	stileid.u32;
	s8 =	rddreg [dreg:$0x0]  }
0x3: {  	s15 =	simm.s32 $0x1;
	s16 =	simm.s32 $0x2;
	s17 =	simm.s32 $0x3  }
0x4: {  	s18 =	simm.s32 $0x4;
	s19 =	simm.s32 $0x4120;
	s20 =	simm.s32 $0x5  }
0x5: {  	s21 =	simm.s32 $0x0;
	s6 =	sand.u32 $0x1, s1;
	s7 =	sshrl.u32 s0, $0x2  }
0x6: {  	s31 =	sshll.u32 s0, $0x1;
	s4 =	sadd.s32 $0xB800, s8;
	s5 =	smul.u32 $0x2720, s7  }
0x7: {  	s1 =	sor.u32 s6, s31;
	s2 =	sshll.u32 s7, $0x3;
	s11 =	smul.u32 $0x2710, s7  }
0x8: {  	s10 =	ssub.s32 $0x2, s6;
	s13 =	smul.u32 $0x9C400, s7;
	s3 =	ssub.s32 s1, s2  }
0x9: {  	s2 =	simm.s32 $0x0;
	s12 =	sshrl.u32 s10, $0x1;
	s3 =	smul.u32 $0x4E4, s3  }
0xa: {  	s6 =	sadd.s32 $0x15600, s8;
	[smem:$0x7FF] =	sst s2;
	s12 =	ssub.s32 s10, s12  }
.Ltmp0:
0xb: {  	_ =	strace $0x8000004A;
	s9 =	sadd.s32 s5, s3;
	(pc) =	sbr.rel .LBB2_1-.Ltmp0, $4  }
0xc: {  	s5 =	smul.u32 $0x271, s7;
	s7 =	sadd.s32 s4, s11;
	s9 =	sshll.u32 s9, $0x3  }
0xd: {  	s11 =	smax.u32 s12, $0x1;
	s12 =	simm.s32 $0x120;
	s9 =	sand.u32 $0x1FFFFFE0, s9  }
0xe: {  	s14 =	sadd.s32 s9, s8;
	s8 =	sadd.s32 s6, s13;
	s9 =	sadd.s32 $0x2, s5  }
0xf: {  	v1 =	vimm.f32 $0.0e+00;
	v0 =	vmov s3;
	s13 =	simm.s32 $0x90;
	s10 =	sadd.s32 $0x28D600, s14;
	s14 =	simm.s32 $0x2120  }
.LBB2_17:
0x10: {  	_ =	swait.ge [sflag:s15], $0x80  }
0x11: {  	[sflag:s15] =	ssyncset.done $0x0  }
0x12: {  	[sflag:s15] =	ssyncadd.s32 $0xFFFFFF80  }
0x13: {  	s21 =	sadd.s32 $0x1, s21;
	_ =	swait.ge [sflag:s16], $0x2000  }
0x14: {  	p0 =	sne.s32 s21, s11;
	[sflag:s16] =	ssyncset.done $0x0  }
.Ltmp1:
0x15: {  	[sflag:s16] =	ssyncadd.s32 $0xFFFFE000;
	(pc) =	sbr.rel @!p0 .LBB2_18-.Ltmp1, $4  }
0x16: {  	[hbm4b:s10+s2] =	stream.linear.scatter [tilespmem:s19], [sflag:$0x5], $0x13900, $0x38;
	[tilespmem:$0x17A20] =	vst v63  }
0x17: {  	_ =	swait.ge [sflag:s20], $0x13900  }
0x18: {  	[sflag:s20] =	ssyncset.done $0x0  }
0x19: {  	[sflag:s20] =	ssyncadd.s32 $0xFFFEC700  }
.LBB2_1:
0x1a: {  	s23 =	simm.s32 $0x100;
	s22 =	simm.s32 $0x0  }
.LBB2_2:
0x1b: {  	p0 =	sne.s32 s23, $0x4E300;
	[tilespmem:s22+$0x4150] =	vst v1;
	s24 =	smov.u32 s23;
	s23 =	sadd.s32 $0x100, s23  }
.Ltmp2:
0x1c: {  	[tilespmem:s22+$0x4140] =	vst v1;
	(pc) =	sbr.rel @p0 .LBB2_2-.Ltmp2, $3  }
0x1d: {  	[tilespmem:s22+$0x4120] =	vst v1  }
0x1e: {  	[tilespmem:s22+$0x4130] =	vst v1;
	_ =	sdelay $0x1  }
0x1f: {  	s22 =	sshra.s32 s24, $0x2  }
0x20: {  	[tilespmem:s22+$0x4150] =	vst v1  }
0x21: {  	[tilespmem:s22+$0x4140] =	vst v1  }
.Ltmp3:
0x22: {  	[tilespmem:s22+$0x4120] =	vst v1;
	(pc) =	sbr.rel .LBB2_4-.Ltmp3, $4  }
0x23: {  	[tilespmem:s22+$0x4130] =	vst v1;
	s22 =	simm.s32 $0x0  }
0x24: {  	[tilespmem:s22], [sflag:$0x1] =	stream.linear.gather [hbm4b:s7+s22], $0x80, $0x38;
	[tilespmem:$0x17A20] =	vst v63  }
0x25: {  	s23 =	simm.s32 $0x0  }
0x26: {  	[tilespmem:s12], [sflag:$0x2] =	stream.linear.gather [hbm4b:s8+s22], $0x2000, $0x38;
	[tilespmem:$0x17A20] =	vst v63  }
.LBB2_16:
0x27: {  	s23 =	sadd.s32 $0x1, s23  }
0x28: {  	p0 =	sne.s32 s23, $0x139  }
.Ltmp4:
0x29: {  	_ = 	snop;
	(pc) =	sbr.rel @!p0 .LBB2_17-.Ltmp4, $1  }
0x2a: {  	_ =	sdelay $0x3  }
.LBB2_4:
0x2b: {  	s24 =	sshllo.u32 s23, $0x1  }
0x2c: {  	s24 =	smin.u32 s24, $0x270  }
0x2d: {  	s24 =	sadd.s32 s5, s24  }
0x2e: {  	s25 =	sshll.u32 s24, $0x4  }
0x2f: {  	s24 =	sshll.u32 s24, $0xA;
	s25 =	sadd.s32 s4, s25  }
0x30: {  	[tilespmem:s13], [sflag:$0x3] =	stream.linear.gather [hbm4b:s25+s22], $0x80, $0x38;
	[tilespmem:$0x17A20] =	vst v63  }
0x31: {  	s24 =	sadd.s32 s6, s24  }
0x32: {  	[tilespmem:s14], [sflag:$0x4] =	stream.linear.gather [hbm4b:s24+s22], $0x2000, $0x38;
	[tilespmem:$0x17A20] =	vst v63  }
0x33: {  	_ =	swait.ge [sflag:s15], $0x80  }
.Ltmp5:
0x34: {  	[sflag:s15] =	ssyncset.done $0x0;
	(pc) =	sbr.rel .LBB2_5-.Ltmp5, $4  }
0x35: {  	[sflag:s15] =	ssyncadd.s32 $0xFFFFFF80  }
0x36: {  	_ =	swait.ge [sflag:s16], $0x2000  }
0x37: {  	s26 =	simm.s32 $0x0;
	s28 =	simm.s32 $0x0;
	[sflag:s16] =	ssyncset.done $0x0  }
0x38: {  	s25 =	simm.s32 $0x140;
	s24 =	sshll.u32 s23, $0x1;
	[sflag:s16] =	ssyncadd.s32 $0xFFFFE000  }
.LBB2_8:
0x39: {  	v2 =	vmax.f32 @!p0 v2, v3  }
0x3a: {  	[tilespmem:s31+$0x4150] =	vst @!p0 v2  }
.LBB2_9:
0x3b: {  	s28 =	sadd.s32 $0x1, s28  }
0x3c: {  	p0 =	sne.s32 s28, $0x8  }
.Ltmp6:
0x3d: {  	_ = 	snop;
	(pc) =	sbr.rel @!p0 .LBB2_10-.Ltmp6, $2  }
0x3e: {  	_ =	sdelay $0x2  }
0x3f: {  	s26 =	sadd.s32 $0x10, s26;
	s25 =	sadd.s32 $0x400, s25  }
.LBB2_5:
0x40: {  	s29 =	sshll.u32 s28, $0x4  }
0x41: {  	v2 =	vld [tilespmem:s29+$0x0];
	_ =	sdelay $0x4  }
0x42: {  	v2 =	vsub.s32 v2, v0  }
0x43: {  	vm0 =	vlt.u32 v2, $0x4E4  }
0x44: {  	v2 =	vsel vm0, $0x3F800000, v1  }
0x45: {  	(xrf0) =	vmax.scan.msk.f32 $0xffff, v2;
	_ =	sdelay $0x5  }
0x46: {  	v2, _, _ =	vpop (xrf0)  }
0x47: {  	(v2sf) =	vpush v2, $0xF;
	_ =	sdelay $0xe  }
0x48: {  	s29 =	spop (v2sf)  }
0x49: {  	p0 =	sgt.f32 s29, $0.0e+00  }
.Ltmp7:
0x4a: {  	_ = 	snop;
	(pc) =	sbr.rel @!p0 .LBB2_9-.Ltmp7, $2  }
0x4b: {  	_ =	sdelay $0x2  }
0x4c: {  	s29 =	simm.s32 $0x0  }
0x4d: {  	s30 =	sshra.s32 s29, $0x2  }
0x4e: {  	s30 =	sadd.s32 s30, s26  }
0x4f: {  	v2 =	vld [tilespmem:s30+$0x0];
	_ =	sdelay $0x4  }
0x50: {  	(v2sf) =	vpush v2, $0x0;
	_ =	sdelay $0xe  }
0x51: {  	s30 =	spop (v2sf)  }
0x52: {  	s30 =	ssub.s32 s30, s3  }
0x53: {  	p0 =	sgt.u32 s30, $0x4E3  }
0x54: {  	s30 =	sshll.u32 @!p0 s30, $0x6  }
0x55: {  	v3 =	vld @!p0 [tilespmem:s25+$0xFFFFFFE0];
	s31 =	sand.u32 @!p0 $0x3FFFFFC0, s30  }
0x56: {  	v4 =	vld @!p0 [tilespmem:s31+$0x4120];
	_ =	sdelay $0x4  }
0x57: {  	v3 =	vmax.f32 @!p0 v4, v3  }
0x58: {  	v5 =	vld @!p0 [tilespmem:s31+$0x4130];
	[tilespmem:s31+$0x4120] =	vst @!p0 v3  }
0x59: {  	v3 =	vld @!p0 [tilespmem:s25+$0xFFFFFFF0];
	_ =	sdelay $0x4  }
0x5a: {  	v3 =	vmax.f32 @!p0 v5, v3  }
0x5b: {  	[tilespmem:s31+$0x4130] =	vst @!p0 v3;
	v3 =	vld @!p0 [tilespmem:s31+$0x4140]  }
0x5c: {  	v4 =	vld @!p0 [tilespmem:s25+$0x0];
	_ =	sdelay $0x4  }
0x5d: {  	v3 =	vmax.f32 @!p0 v3, v4  }
0x5e: {  	v2 =	vld @!p0 [tilespmem:s31+$0x4150];
	[tilespmem:s31+$0x4140] =	vst @!p0 v3  }
0x5f: {  	v3 =	vld @!p0 [tilespmem:s25+$0x10];
	_ =	sdelay $0x3  }
0x60: {  	s29 =	sadd.s32 $0x4, s29;
	s30 =	smov.u32 s25  }
.LBB2_7:
0x61: {  	s1 =	sshra.s32 s29, $0x2;
	s29 =	sadd.s32 $0x4, s29;
	v2 =	vmax.f32 @!p0 v2, v3  }
0x62: {  	s1 =	sadd.s32 s1, s26;
	p1 =	sne.s32 s29, $0x40;
	[tilespmem:s31+$0x4150] =	vst @!p0 v2  }
0x63: {  	v2 =	vld [tilespmem:s1+$0x0];
	_ =	sdelay $0x4  }
0x64: {  	(v2sf) =	vpush v2, $0x0;
	_ =	sdelay $0xe  }
0x65: {  	s1 =	spop (v2sf)  }
0x66: {  	s1 =	ssub.s32 s1, s3  }
0x67: {  	p0 =	sgt.u32 s1, $0x4E3  }
0x68: {  	s30 =	sadd.s32 $0x40, s30;
	s1 =	sshll.u32 @!p0 s1, $0x6  }
0x69: {  	s31 =	sand.u32 @!p0 $0x3FFFFFC0, s1;
	v3 =	vld @!p0 [tilespmem:s30+$0xFFFFFFE0]  }
0x6a: {  	v4 =	vld @!p0 [tilespmem:s31+$0x4120]  }
0x6b: {  	v5 =	vld @!p0 [tilespmem:s31+$0x4130]  }
0x6c: {  	v2 =	vld @!p0 [tilespmem:s31+$0x4150];
	_ =	sdelay $0x2  }
0x6d: {  	v3 =	vmax.f32 @!p0 v4, v3  }
0x6e: {  	[tilespmem:s31+$0x4120] =	vst @!p0 v3  }
0x6f: {  	v3 =	vld @!p0 [tilespmem:s30+$0xFFFFFFF0];
	_ =	sdelay $0x4  }
0x70: {  	v3 =	vmax.f32 @!p0 v5, v3  }
0x71: {  	[tilespmem:s31+$0x4130] =	vst @!p0 v3;
	v3 =	vld @!p0 [tilespmem:s31+$0x4140]  }
0x72: {  	v4 =	vld @!p0 [tilespmem:s30+$0x0];
	_ =	sdelay $0x2  }
.Ltmp8:
0x73: {  	(pc) =	sbr.rel @p1 .LBB2_7-.Ltmp8, $4  }
0x74: {  	_ = 	snop  }
0x75: {  	v3 =	vmax.f32 @!p0 v3, v4  }
0x76: {  	[tilespmem:s31+$0x4140] =	vst @!p0 v3  }
0x77: {  	v3 =	vld @!p0 [tilespmem:s30+$0x10]  }
.Ltmp9:
0x78: {  	_ = 	snop;
	(pc) =	sbr.rel .LBB2_8-.Ltmp9, $1  }
0x79: {  	_ =	sdelay $0x3  }
.LBB2_10:
0x7a: {  	s1 =	smin.u32 s24, $0x26E  }
0x7b: {  	s1 =	sadd.s32 s1, s9  }
0x7c: {  	s31 =	sshll.u32 s1, $0x4  }
0x7d: {  	s24 =	simm.s32 $0x0;
	s1 =	sshll.u32 s1, $0xA;
	s25 =	sadd.s32 s4, s31  }
0x7e: {  	[tilespmem:s24], [sflag:$0x1] =	stream.linear.gather [hbm4b:s25+s24], $0x80, $0x38;
	[tilespmem:$0x17A20] =	vst v63  }
0x7f: {  	s1 =	sadd.s32 s6, s1  }
0x80: {  	[tilespmem:s12], [sflag:$0x2] =	stream.linear.gather [hbm4b:s1+s24], $0x2000, $0x38;
	[tilespmem:$0x17A20] =	vst v63  }
0x81: {  	_ =	swait.ge [sflag:s17], $0x80  }
.Ltmp10:
0x82: {  	[sflag:s17] =	ssyncset.done $0x0;
	(pc) =	sbr.rel .LBB2_11-.Ltmp10, $4  }
0x83: {  	[sflag:s17] =	ssyncadd.s32 $0xFFFFFF80  }
0x84: {  	_ =	swait.ge [sflag:s18], $0x2000  }
0x85: {  	s26 =	simm.s32 $0x2140;
	[sflag:s18] =	ssyncset.done $0x0  }
0x86: {  	s28 =	simm.s32 $0x0;
	s25 =	simm.s32 $0x90;
	[sflag:s18] =	ssyncadd.s32 $0xFFFFE000  }
.LBB2_14:
0x87: {  	v2 =	vmax.f32 @!p0 v2, v3  }
0x88: {  	[tilespmem:s31+$0x4150] =	vst @!p0 v2  }
.LBB2_15:
0x89: {  	s28 =	sadd.s32 $0x1, s28  }
0x8a: {  	p0 =	sne.s32 s28, $0x8  }
.Ltmp11:
0x8b: {  	_ = 	snop;
	(pc) =	sbr.rel @!p0 .LBB2_16-.Ltmp11, $2  }
0x8c: {  	_ =	sdelay $0x2  }
0x8d: {  	s25 =	sadd.s32 $0x10, s25;
	s26 =	sadd.s32 $0x400, s26  }
.LBB2_11:
0x8e: {  	s1 =	sshll.u32 s28, $0x4  }
0x8f: {  	v2 =	vld [tilespmem:s1+$0x90];
	_ =	sdelay $0x4  }
0x90: {  	v2 =	vsub.s32 v2, v0  }
0x91: {  	vm0 =	vlt.u32 v2, $0x4E4  }
0x92: {  	v2 =	vsel vm0, $0x3F800000, v1  }
0x93: {  	(xrf0) =	vmax.scan.msk.f32 $0xffff, v2;
	_ =	sdelay $0x5  }
0x94: {  	v2, _, _ =	vpop (xrf0)  }
0x95: {  	(v2sf) =	vpush v2, $0xF;
	_ =	sdelay $0xe  }
0x96: {  	s31 =	spop (v2sf)  }
0x97: {  	p0 =	sgt.f32 s31, $0.0e+00  }
.Ltmp12:
0x98: {  	_ = 	snop;
	(pc) =	sbr.rel @!p0 .LBB2_15-.Ltmp12, $1  }
0x99: {  	_ =	sdelay $0x3  }
0x9a: {  	s1 =	sshra.s32 s24, $0x2  }
0x9b: {  	s1 =	sadd.s32 s1, s25  }
0x9c: {  	v2 =	vld [tilespmem:s1+$0x0];
	_ =	sdelay $0x4  }
0x9d: {  	(v2sf) =	vpush v2, $0x0;
	_ =	sdelay $0xe  }
0x9e: {  	s1 =	spop (v2sf)  }
0x9f: {  	s1 =	ssub.s32 s1, s3  }
0xa0: {  	p0 =	sgt.u32 s1, $0x4E3  }
0xa1: {  	s1 =	sshll.u32 @!p0 s1, $0x6  }
0xa2: {  	v3 =	vld @!p0 [tilespmem:s26+$0xFFFFFFE0];
	s31 =	sand.u32 @!p0 $0x3FFFFFC0, s1  }
0xa3: {  	v4 =	vld @!p0 [tilespmem:s31+$0x4120];
	_ =	sdelay $0x4  }
0xa4: {  	v3 =	vmax.f32 @!p0 v4, v3  }
0xa5: {  	v5 =	vld @!p0 [tilespmem:s31+$0x4130];
	[tilespmem:s31+$0x4120] =	vst @!p0 v3  }
0xa6: {  	v3 =	vld @!p0 [tilespmem:s26+$0xFFFFFFF0];
	_ =	sdelay $0x4  }
0xa7: {  	v3 =	vmax.f32 @!p0 v5, v3  }
0xa8: {  	[tilespmem:s31+$0x4130] =	vst @!p0 v3;
	v3 =	vld @!p0 [tilespmem:s31+$0x4140]  }
0xa9: {  	v4 =	vld @!p0 [tilespmem:s26+$0x0];
	_ =	sdelay $0x4  }
0xaa: {  	v3 =	vmax.f32 @!p0 v3, v4  }
0xab: {  	v2 =	vld @!p0 [tilespmem:s31+$0x4150];
	[tilespmem:s31+$0x4140] =	vst @!p0 v3  }
0xac: {  	v3 =	vld @!p0 [tilespmem:s26+$0x10];
	_ =	sdelay $0x3  }
0xad: {  	s29 =	sadd.s32 $0x4, s24;
	s30 =	smov.u32 s26  }
.LBB2_13:
0xae: {  	s1 =	sshra.s32 s29, $0x2;
	s29 =	sadd.s32 $0x4, s29;
	v2 =	vmax.f32 @!p0 v2, v3  }
0xaf: {  	s1 =	sadd.s32 s1, s25;
	p1 =	sne.s32 s29, $0x40;
	[tilespmem:s31+$0x4150] =	vst @!p0 v2  }
0xb0: {  	v2 =	vld [tilespmem:s1+$0x0];
	_ =	sdelay $0x4  }
0xb1: {  	(v2sf) =	vpush v2, $0x0;
	_ =	sdelay $0xe  }
0xb2: {  	s1 =	spop (v2sf)  }
0xb3: {  	s1 =	ssub.s32 s1, s3  }
0xb4: {  	p0 =	sgt.u32 s1, $0x4E3  }
0xb5: {  	s30 =	sadd.s32 $0x40, s30;
	s1 =	sshll.u32 @!p0 s1, $0x6  }
0xb6: {  	s31 =	sand.u32 @!p0 $0x3FFFFFC0, s1;
	v3 =	vld @!p0 [tilespmem:s30+$0xFFFFFFE0]  }
0xb7: {  	v4 =	vld @!p0 [tilespmem:s31+$0x4120]  }
0xb8: {  	v5 =	vld @!p0 [tilespmem:s31+$0x4130]  }
0xb9: {  	v2 =	vld @!p0 [tilespmem:s31+$0x4150];
	_ =	sdelay $0x2  }
0xba: {  	v3 =	vmax.f32 @!p0 v4, v3  }
0xbb: {  	[tilespmem:s31+$0x4120] =	vst @!p0 v3  }
0xbc: {  	v3 =	vld @!p0 [tilespmem:s30+$0xFFFFFFF0];
	_ =	sdelay $0x4  }
0xbd: {  	v3 =	vmax.f32 @!p0 v5, v3  }
0xbe: {  	[tilespmem:s31+$0x4130] =	vst @!p0 v3;
	v3 =	vld @!p0 [tilespmem:s31+$0x4140]  }
0xbf: {  	v4 =	vld @!p0 [tilespmem:s30+$0x0];
	_ =	sdelay $0x2  }
.Ltmp13:
0xc0: {  	(pc) =	sbr.rel @p1 .LBB2_13-.Ltmp13, $4  }
0xc1: {  	_ = 	snop  }
0xc2: {  	v3 =	vmax.f32 @!p0 v3, v4  }
0xc3: {  	[tilespmem:s31+$0x4140] =	vst @!p0 v3  }
0xc4: {  	v3 =	vld @!p0 [tilespmem:s30+$0x10]  }
.Ltmp14:
0xc5: {  	_ = 	snop;
	(pc) =	sbr.rel .LBB2_14-.Ltmp14, $1  }
0xc6: {  	_ =	sdelay $0x3  }
.LBB2_18:
0xc7: {  	_ =	sfence.sel $0x180000  }
0xc8: {  	[bflag:$0x0] =	sbarrier.arrive $0xFFFF  }
0xc9: {  	_ =	strace $0x9000004A  }
0xca: {  	[bflag:$0x2] =	sbarrier.arrive $0xFFFF  }
0xcb: {  	p0 =	sne.s32 s0, $0x0;
	s0 =	rddreg [dreg:$0x1]  }
0xcc: {  	s0 =	sadd.s32 @!p0 $0x100000, s0  }
0xcd: {  	[sflag:s0] =	ssyncadd.tile.s32 @!p0 $0x1;
	_ =	shalt  }
.Lfunc_end2:
_tile_overlayer_lowered:
.L_overlay_start_2:
0xce: {  	(tag) =	ssettag $0x2  }
0xcf: {  	s0 =	rddreg [dreg:$0x0];
	s2 =	stileid.u32  }
0xd0: {  	s1 =	rddreg [dreg:$0x1];
	p0 =	sne.s32 s2, $0x0  }
0xd1: {  	s3 =	rddreg [dreg:$0x2];
	[bflag:$0x3] =	sbarrier.arrive $0xFFFF;
	s2 =	simm.s32 @!p0 $0x1C05  }
0xd2: {  	[timem:s3], [sflag:s2] =	dma.local @!p0 [hbm:s0], s1  }
0xd3: {  	s0 =	simm.s32 @!p0 $0x5  }
0xd4: {  	_ =	swait.ge @!p0 [sflag:s0], s1  }
0xd5: {  	s1 =	ssub.s32 @!p0 $0x0, s1;
	[sflag:s0] =	ssyncset.done @!p0 $0x0  }
0xd6: {  	[sflag:s0] =	ssyncadd.s32 @!p0 s1  }
0xd7: {  	[bflag:$0x3] =	sbarrier.arrive $0xFFFF  }
0xd8: {  	_ =	shalt  }

// kernel: kernel.7.cloned.1.call-start
scs
__scs_entry_jumppad:
0x0: {  	(pc) =	sbr.rel $0x88, $3  }
0x1: {  	(tag) =	ssettag $0x0;
	lr =	simm.s32 $0x1  }
0x2: {  	[smem:$0x3F97] =	sst lr;
	_ =	strace $0xD0000000  }
0x3: {  	_ = 	snop  }
0x4: {  	_ = 	snop  }
0x5: {  	_ = 	snop  }
0x6: {  	_ = 	snop  }
0x7: {  	_ = 	snop  }
__scs_overlays_trampoline_lowered:
0x8: {  	[smem:$0x3FA6] =	sst s0  }
0x9: {  	[smem:$0x3FA7] =	sst s1  }
0xa: {  	[smem:$0x3FA8] =	sst s2  }
0xb: {  	[smem:$0x3FA9] =	sst s3  }
0xc: {  	[smem:$0x3FAA] =	sst s4  }
0xd: {  	[smem:$0x3FAB] =	sst s5  }
0xe: {  	[smem:$0x3FAC] =	sst s6  }
0xf: {  	[smem:$0x3FAD] =	sst s7  }
0x10: {  	[smem:$0x3FAE] =	sst s8  }
0x11: {  	[smem:$0x3FAF] =	sst s9;
	s0 =	simm.s32 @!p0 $0x0  }
0x12: {  	s1 =	sld [smem:$0x3F95];
	s0 =	simm.s32 @p0 $0x1  }
0x13: {  	[smem:$0x3FB0] =	sst s0;
	s0 =	simm.s32 @!p1 $0x0  }
0x14: {  	s2 =	sld [smem:$0x3F94];
	s0 =	simm.s32 @p1 $0x1  }
0x15: {  	[smem:$0x3FB1] =	sst s0;
	s0 =	simm.s32 @!p2 $0x0  }
0x16: {  	s3 =	sld [smem:$0x3FDB];
	s0 =	simm.s32 @p2 $0x1  }
0x17: {  	s4 =	simm.s32 $0x1BF5;
	[smem:$0x3FB3] =	sst s0  }
0x18: {  	s0 =	sld [smem:$0x3F96];
	_ =	swait.ge [sflag:s4], $0x0  }
0x19: {  	s7 =	sld [smem:$0x3F97]  }
0x1a: {  	s8 =	sadd.s32 $0xFFFFE003, lr  }
0x1b: {  	s9 =	sadd.s32 $0xFFFFFEF7, lr;
	s5 =	simm.s32 $0xFFFFFFFF;
	p2 =	slt.u32 s8, $0xFFFFF086  }
0x1c: {  	p1 =	slt.u32 s9, $0xF7A;
	s5 =	simm.s32 @!p2 $0x0  }
0x1d: {  	s5 =	simm.s32 @p1 $0x1;
	p0 =	seq.s32 s7, s2  }
0x1e: {  	s7 =	smul.u32 @!p0 $0xF7A, s2;
	p2 =	seq.s32 @!p0 s5, $0x0  }
0x1f: {  	s9 =	smul.u32 $0xF7A, s1;
	s8 =	simm.s32 @!p0 $0x1BF5;
	p2 =	por !p2, p0  }
0x20: {  	[sflag:s8] =	ssyncset.s32 @!p0 $0xFFFFF086;
	s6 =	sadd.s32 @!p0 s3, s7;
	s7 =	simm.s32 @!p0 $0x108  }
0x21: {  	s3 =	sadd.s32 s3, s9;
	s6 =	sadd.s32 @!p0 $0x88, s6;
	s7 =	simm.s32 @p2 $0x1082  }
0x22: {  	[simem:s7], [sflag:s8] =	dma.local @!p0 [hbm:s6], $0xF7A  }
0x23: {  	s9 =	sor.u32 $0xD0000000, s2;
	s6 =	simm.s32 $0x108;
	_ =	swait.ge @!p0 [sflag:s8], $0x0  }
0x24: {  	s3 =	sadd.s32 $0x88, s3;
	s6 =	simm.s32 @!p1 $0x1082;
	[sflag:s4] =	ssyncset.s32 $0xFFFFF086  }
0x25: {  	[simem:s6], [sflag:s4] =	dma.local [hbm:s3], $0xF7A  }
0x26: {  	[smem:$0x3F97] =	sst s1;
	(tag) =	ssettag s2;
	_ =	strace s9  }
0x27: {  	s1 =	sld [smem:$0x3FA7]  }
0x28: {  	s2 =	sld [smem:$0x3FA8]  }
0x29: {  	s4 =	sld [smem:$0x3FAA]  }
0x2a: {  	p0 =	seq.s32 s5, $0x0;
	s5 =	sld [smem:$0x3FAB]  }
0x2b: {  	s6 =	sld [smem:$0x3FAC]  }
0x2c: {  	s7 =	sld [smem:$0x3FAD]  }
0x2d: {  	s3 =	simm.s32 $0x108;
	s8 =	sld [smem:$0x3FAE]  }
0x2e: {  	s3 =	simm.s32 @!p0 $0x1082;
	s9 =	sld [smem:$0x3FAF]  }
0x2f: {  	lr =	sadd.s32 s0, s3;
	s0 =	sld [smem:$0x3FA6]  }
0x30: {  	s3 =	sld [smem:$0x3FA9]  }
0x31: {  	[smem:$0x3FB2] =	sst s10  }
0x32: {  	s10 =	sld [smem:$0x3FB0];
	_ =	sdelay $0x3  }
0x33: {  	p0 =	seq.s32 s10, $0x1;
	s10 =	sld [smem:$0x3FB2];
	_ =	sdelay $0x3  }
0x34: {  	[smem:$0x3FB2] =	sst s10  }
0x35: {  	s10 =	sld [smem:$0x3FB1];
	_ =	sdelay $0x3  }
0x36: {  	p1 =	seq.s32 s10, $0x1;
	s10 =	sld [smem:$0x3FB2];
	_ =	sdelay $0x3  }
0x37: {  	[smem:$0x3FB2] =	sst s10  }
0x38: {  	s10 =	sld [smem:$0x3FB3]  }
0x39: {  	_ = 	snop;
	(pc) =	sbr.ind lr, $3  }
0x3a: {  	_ = 	snop  }
0x3b: {  	_ = 	snop  }
0x3c: {  	p2 =	seq.s32 s10, $0x1;
	s10 =	sld [smem:$0x3FB2]  }
0x3d: {  	_ =	shalt  }
0x3e: {  	_ =	shalt  }
0x3f: {  	_ =	shalt  }
0x40: {  	_ =	shalt  }
0x41: {  	_ =	shalt  }
0x42: {  	_ =	shalt  }
0x43: {  	_ =	shalt  }
0x44: {  	_ =	shalt  }
0x45: {  	_ =	shalt  }
0x46: {  	_ =	shalt  }
0x47: {  	_ =	shalt  }
0x48: {  	_ =	shalt  }
0x49: {  	_ =	shalt  }
0x4a: {  	_ =	shalt  }
0x4b: {  	_ =	shalt  }
0x4c: {  	_ =	shalt  }
0x4d: {  	_ =	shalt  }
0x4e: {  	_ =	shalt  }
0x4f: {  	_ =	shalt  }
0x50: {  	_ =	shalt  }
0x51: {  	_ =	shalt  }
0x52: {  	_ =	shalt  }
0x53: {  	_ =	shalt  }
0x54: {  	_ =	shalt  }
0x55: {  	_ =	shalt  }
0x56: {  	_ =	shalt  }
0x57: {  	_ =	shalt  }
0x58: {  	_ =	shalt  }
0x59: {  	_ =	shalt  }
0x5a: {  	_ =	shalt  }
0x5b: {  	_ =	shalt  }
0x5c: {  	_ =	shalt  }
0x5d: {  	_ =	shalt  }
0x5e: {  	_ =	shalt  }
0x5f: {  	_ =	shalt  }
0x60: {  	_ =	shalt  }
0x61: {  	_ =	shalt  }
0x62: {  	_ =	shalt  }
0x63: {  	_ =	shalt  }
0x64: {  	_ =	shalt  }
0x65: {  	_ =	shalt  }
0x66: {  	_ =	shalt  }
0x67: {  	_ =	shalt  }
0x68: {  	_ =	shalt  }
0x69: {  	_ =	shalt  }
0x6a: {  	_ =	shalt  }
0x6b: {  	_ =	shalt  }
0x6c: {  	_ =	shalt  }
0x6d: {  	_ =	shalt  }
0x6e: {  	_ =	shalt  }
0x6f: {  	_ =	shalt  }
0x70: {  	_ =	shalt  }
0x71: {  	_ =	shalt  }
0x72: {  	_ =	shalt  }
0x73: {  	_ =	shalt  }
0x74: {  	_ =	shalt  }
0x75: {  	_ =	shalt  }
0x76: {  	_ =	shalt  }
0x77: {  	_ =	shalt  }
0x78: {  	_ =	shalt  }
0x79: {  	_ =	shalt  }
0x7a: {  	_ =	shalt  }
0x7b: {  	_ =	shalt  }
0x7c: {  	_ =	shalt  }
0x7d: {  	_ =	shalt  }
0x7e: {  	_ =	shalt  }
0x7f: {  	_ =	shalt  }
0x80: {  	_ =	shalt  }
0x81: {  	_ =	shalt  }
0x82: {  	_ =	shalt  }
0x83: {  	_ =	shalt  }
0x84: {  	_ =	shalt  }
0x85: {  	_ =	shalt  }
0x86: {  	_ =	shalt  }
0x87: {  	_ =	shalt  }
.Lfunc_end0:
.L_simem_size_0:
called_computation_lowered:
.L_overlay_start_0:
0x88: {  	s2 =	sld [smem:$0x3FD9]  }
0x89: {  	s3 =	sld [smem:$0x3FFE];
	_ =	sdelay $0x1  }
0x8a: {  	s1 =	srdreg.scid  }
0x8b: {  	s0 =	sand.u32 $0x1, s1  }
0x8c: {  	s17 =	sshll.u32 s0, $0xA;
	s2 =	sadd.s32 s3, s2  }
0x8d: {  	s2 =	sadd.s32 s2, s17  }
0x8e: {  	[smem:$0x3FBE] =	sst s2  }
0x8f: {  	_ = 	snop  }
0x90: {  	s2 =	sld [smem:$0x3FD0];
	(tm) =	ssettm $0x1  }
0x91: {  	s18 =	sld [smem:$0x3FFB];
	_ =	sdelay $0x3  }
0x92: {  	_ =	strace s18  }
0x93: {  	s3 =	sld [smem:$0x3FFC];
	_ =	sdelay $0x3  }
0x94: {  	_ =	strace s3  }
0x95: {  	s3 =	sld [smem:$0x3FFD];
	_ =	sdelay $0x3  }
0x96: {  	_ =	strace s3  }
0x97: {  	_ =	strace $0x8FFFFFFF  }
0x98: {  	s19 =	sld [smem:$0x3FDB];
	_ =	sdelay $0x1  }
0x99: {  	s4 =	simm.s32 $_scs_section_size  }
0x9a: {  	s5 =	simm.s32 $_size__tile_overlayer_lowered;
	s6 =	simm.s32 $_tile_overlayer_lowered  }
0x9b: {  	s22 =	simm.s32 $0x1BFF;
	s21 =	sshll.u32 s6, $0x1;
	s3 =	sadd.s32 s4, s19  }
0x9c: {  	s7 =	simm.s32 $0x0;
	s20 =	sshll.u32 s5, $0x1;
	s5 =	sadd.s32 s21, s3  }
0x9d: {  	[timem:s7], [sflag:s22] =	dma.local [hbm:s5], s20  }
0x9e: {  	_ =	swait.ge [sflag:s22], s20  }
0x9f: {  	s4 =	ssub.s32 $0x0, s20;
	[sflag:s22] =	ssyncset.done $0x0  }
0xa0: {  	[sflag:s22] =	ssyncadd.s32 s4;
	_ =	sdelay $0x1  }
0xa1: {  	s23 =	simm.s32 $0x1B8B  }
0xa2: {  	_ =	swait.ge [sflag:s23], $0x1  }
0xa3: {  	[sflag:s23] =	ssyncset.done $0x0  }
0xa4: {  	s25 =	simm.s32 $0x1B8E;
	s24 =	sld [smem:$0x3FFE];
	[sflag:s23] =	ssyncadd.s32 $0xFFFFFFFF  }
0xa5: {  	s26 =	simm.s32 $execute0_lowered;
	[smem:$0x3FD2] =	sst s25  }
0xa6: {  	s5 =	sshll.u32 s26, $0x1;
	_ =	strace $0x80000046;
	[dreg:$0x1] =	wrdreg $0xFFFFFFFF  }
0xa7: {  	s28 =	simm.s32 $_size_execute0_lowered;
	s3 =	sadd.s32 s3, s5;
	[dreg:$0x0] =	wrdreg $0x0  }
0xa8: {  	s5 =	sshll.u32 s28, $0x1;
	[dreg:$0x2] =	wrdreg s3  }
0xa9: {  	[dreg:$0x3] =	wrdreg s5  }
0xaa: {  	[dreg:$0x4] =	wrdreg $0xC0  }
0xab: {  	_ =	task [dreg:s7], $0x5FFFF  }
0xac: {  	[dreg:$0x1] =	wrdreg $0xFFFFFFFF  }
0xad: {  	[dreg:$0x0] =	wrdreg $0x60  }
0xae: {  	[dreg:$0x2] =	wrdreg s2  }
0xaf: {  	[dreg:$0x3] =	wrdreg s24  }
0xb0: {  	[dreg:$0x4] =	wrdreg $0x9  }
0xb1: {  	_ =	task.clear_ibuf [dreg:s7], $0x5FFFF;
	_ =	strace $0x90000046  }
0xb2: {  	s29 =	simm.s32 $0x9;
	_ =	strace $0x80000048  }
0xb3: {  	_ =	swait.ge [sflag:s29], $0x1  }
0xb4: {  	[sflag:s29] =	ssyncadd.s32 $0xFFFFFFFF  }
0xb5: {  	_ =	strace $0x90000048  }
0xb6: {  	_ =	sfence  }
0xb7: {  	s30 =	sld [smem:$0x0];
	_ =	sdelay $0x2  }
0xb8: {  	s31 =	sshll.u32 s1, $0xD;
	s1 =	sshrl.u32 s1, $0x2  }
0xb9: {  	s3 =	sand.u32 $0x4000, s31;
	s1 =	sadd.s32 s1, s30  }
0xba: {  	s0 =	sor.u32 s3, s0;
	s1 =	sshll.u32 s1, $0x11  }
0xbb: {  	s0 =	sor.u32 s1, s0  }
0xbc: {  	s0 =	sadd.s32 $0x8F2B, s0  }
0xbd: {  	[sflag:s0] =	ssyncadd.remote.s32 $0x1  }
0xbe: {  	_ =	sfence.sel $0xFFFF  }
0xbf: {  	[dreg:$0x0] =	wrdreg $0xFFFFFFFF;
	(pc) =	sbr.abs _section_cstart, $3  }
0xc0: {  	[dreg:$0x1] =	wrdreg $0xFFFFFFFF  }
0xc1: {  	_ =	task.clear_ibuf [dreg:s7], $0x2FFFF;
	_ =	strace $0x9FFFFFFF  }
0xc2: {  	(tm) =	ssettm $0x7FFFFFFF  }
0xc3: {  	_ =	shalt  }
tec
execute0_lowered:
.L_overlay_start_1:
0x0: {  	(tag) =	ssettag $0x1  }
0x1: {  	s1 =	rddreg [dreg:$0x0]  }
0x2: {  	s7 =	rddreg [dreg:$0x1]  }
0x3: {  	s0 =	rddreg [dreg:$0x2]  }
0x4: {  	s2 =	simm.s32 $0x0;
	s3 =	srdreg.scid;
	s12 =	simm.s32 $0x100  }
0x5: {  	s13 =	simm.s32 $0x2100;
	s14 =	simm.s32 $0x1;
	s15 =	simm.s32 $0x2  }
0x6: {  	s16 =	simm.s32 $0x0;
	[smem:$0x7FF] =	sst s2;
	s4 =	sadd.s32 $0x15600, s7  }
0x7: {  	s8 =	sand.u32 $0x1, s3;
	s5 =	sadd.s32 $0x1A00, s7;
	s3 =	stileid.u32  }
0x8: {  	s6 =	sadd.s32 $0xB800, s7;
	s7 =	sadd.s32 $0x29000, s7;
	s9 =	ssub.s32 $0x2, s8  }
0x9: {  	_ =	strace $0x80000047;
	s11 =	sshll.u32 s3, $0x1;
	s10 =	sshrl.u32 s9, $0x1  }
0xa: {  	s8 =	sor.u32 s8, s11;
	s11 =	simm.s32 $0x80;
	s9 =	ssub.s32 s9, s10  }
0xb: {  	s8 =	smul.u32 $0x2780, s8;
	s10 =	simm.s32 $0x3;
	s9 =	smax.u32 s9, $0x1  }
.LBB2_1:
0xc: {  	s17 =	simm.s32 $0x0  }
.LBB2_2:
0xd: {  	s18 =	sshll.u32 s17, $0x7  }
0xe: {  	s18 =	sadd.s32 s8, s18  }
0xf: {  	s19 =	sshrl.u32 s18, $0x3  }
0x10: {  	s21 =	simm.s32 $0x0;
	s20 =	sadd.s32 s5, s19  }
0x11: {  	[tilespmem:s21], [sflag:$0x3] =	stream.linear.gather [hbm4b:s20+s21], $0x80, $0x38;
	[tilespmem:$0x4100] =	vst v63  }
0x12: {  	_ =	swait.ge [sflag:s10], $0x80  }
0x13: {  	[sflag:s10] =	ssyncset.done $0x0  }
0x14: {  	s19 =	sadd.s32 s6, s19;
	[sflag:s10] =	ssyncadd.s32 $0xFFFFFF80  }
0x15: {  	[tilespmem:s11], [sflag:$0x3] =	stream.linear.gather [hbm4b:s19+s21], $0x80, $0x38;
	[tilespmem:$0x4100] =	vst v63  }
0x16: {  	_ =	swait.ge [sflag:s10], $0x80  }
0x17: {  	[sflag:s10] =	ssyncset.done $0x0  }
0x18: {  	[sflag:s10] =	ssyncadd.s32 $0xFFFFFF80  }
0x19: {  	[tilespmem:s12], [sflag:$0x1] =	stream.indirect.gather [hbm4b:s1+s11], $0x40, s21, s11, $0xb8;
	[tilespmem:$0x4100] =	vst v63  }
0x1a: {  	_ = 	snop  }
0x1b: {  	[tilespmem:s13], [sflag:$0x2] =	stream.indirect.gather [hbm4b:s4+s11], $0x40, s11, s11, $0xb8;
	[tilespmem:$0x4100] =	vst v63  }
0x1c: {  	_ =	swait.ge [sflag:s14], $0x2000  }
0x1d: {  	[sflag:s14] =	ssyncset.done $0x0  }
0x1e: {  	[sflag:s14] =	ssyncadd.s32 $0xFFFFE000  }
0x1f: {  	_ =	swait.ge [sflag:s15], $0x2000  }
0x20: {  	[sflag:s15] =	ssyncset.done $0x0  }
0x21: {  	s19 =	simm.s32 $0x0;
	[sflag:s15] =	ssyncadd.s32 $0xFFFFE000  }
0x22: {  	v2 =	vld [tilespmem:s19+$0x2100]  }
0x23: {  	v3 =	vld [tilespmem:s19+$0x2110]  }
0x24: {  	v1 =	vld [tilespmem:s19+$0x2120]  }
0x25: {  	v0 =	vld [tilespmem:s19+$0x2130]  }
0x26: {  	v4 =	vld [tilespmem:s19+$0x100]  }
0x27: {  	v6 =	vld [tilespmem:s19+$0x110]  }
0x28: {  	s20 =	simm.s32 $0x100;
	v5 =	vld [tilespmem:s19+$0x120]  }
.LBB2_3:
0x29: {  	p0 =	sne.s32 s20, $0x7F00;
	v7 =	vld [tilespmem:s19+$0x130]  }
0x2a: {  	s21 =	sshra.s32 s20, $0x2  }
0x2b: {  	v4 =	vsub.f32 v4, v2;
	v2 =	vld [tilespmem:s21+$0x2100]  }
0x2c: {  	v6 =	vsub.f32 v6, v3;
	v3 =	vld [tilespmem:s21+$0x2110]  }
.Ltmp0:
0x2d: {  	v4 =	vmax.f32 v4, $0.0e+00;
	v5 =	vsub.f32 v5, v1;
	v1 =	vld [tilespmem:s21+$0x2120];
	(pc) =	sbr.rel @p0 .LBB2_3-.Ltmp0, $4  }
0x2e: {  	[tilespmem:s19+$0x100] =	vst v4;
	v6 =	vmax.f32 v6, $0.0e+00;
	v7 =	vsub.f32 v7, v0;
	v0 =	vld [tilespmem:s21+$0x2130]  }
0x2f: {  	v4 =	vld [tilespmem:s21+$0x100];
	[tilespmem:s19+$0x110] =	vst v6;
	v5 =	vmax.f32 v5, $0.0e+00  }
0x30: {  	v6 =	vld [tilespmem:s21+$0x110];
	[tilespmem:s19+$0x120] =	vst v5;
	v7 =	vmax.f32 v7, $0.0e+00  }
0x31: {  	s20 =	sadd.s32 $0x100, s20;
	v5 =	vld [tilespmem:s21+$0x120];
	[tilespmem:s19+$0x130] =	vst v7;
	s19 =	smov.u32 s21  }
0x32: {  	v7 =	vld [tilespmem:s19+$0x130];
	_ =	sdelay $0x1  }
0x33: {  	v2 =	vsub.f32 v4, v2  }
0x34: {  	v3 =	vsub.f32 v6, v3  }
0x35: {  	v2 =	vmax.f32 v2, $0.0e+00;
	v1 =	vsub.f32 v5, v1  }
0x36: {  	[tilespmem:s19+$0x100] =	vst v2;
	v63 =	vmax.f32 v3, $0.0e+00;
	v0 =	vsub.f32 v7, v0  }
0x37: {  	s17 =	sadd.s32 $0x1, s17;
	[tilespmem:s19+$0x110] =	vst v63;
	v1 =	vmax.f32 v1, $0.0e+00  }
0x38: {  	s18 =	sshll.u32 s18, $0x3;
	p0 =	sne.s32 s17, $0x4F;
	[tilespmem:s19+$0x120] =	vst v1;
	v0 =	vmax.f32 v0, $0.0e+00  }
.Ltmp1:
0x39: {  	s18 =	sadd.s32 s7, s18;
	[tilespmem:s19+$0x130] =	vst v0;
	(pc) =	sbr.rel @p0 .LBB2_2-.Ltmp1, $4  }
0x3a: {  	[hbm4b:s18+s2] =	stream.linear.scatter [tilespmem:s12], [sflag:$0x3], $0x2000, $0x38;
	[tilespmem:$0x4100] =	vst v63  }
0x3b: {  	_ =	swait.ge [sflag:s10], $0x2000  }
0x3c: {  	[sflag:s10] =	ssyncset.done $0x0  }
0x3d: {  	[sflag:s10] =	ssyncadd.s32 $0xFFFFE000  }
0x3e: {  	s16 =	sadd.s32 $0x1, s16  }
0x3f: {  	p0 =	sne.s32 s16, s9  }
.Ltmp2:
0x40: {  	_ = 	snop;
	(pc) =	sbr.rel @p0 .LBB2_1-.Ltmp2, $1  }
0x41: {  	_ =	sdelay $0x3  }
0x42: {  	_ =	sfence.sel $0x180000  }
0x43: {  	[bflag:$0x0] =	sbarrier.arrive $0xFFFF  }
0x44: {  	p0 =	sne.s32 s3, $0x0;
	_ =	strace $0x90000047  }
0x45: {  	s0 =	sadd.s32 @!p0 $0x100000, s0;
	[bflag:$0x2] =	sbarrier.arrive $0xFFFF  }
0x46: {  	[sflag:s0] =	ssyncadd.tile.s32 @!p0 $0x1;
	_ =	shalt  }
.Lfunc_end2:
_tile_overlayer_lowered:
.L_overlay_start_2:
0x47: {  	(tag) =	ssettag $0x2  }
0x48: {  	s0 =	rddreg [dreg:$0x0];
	s2 =	stileid.u32  }
0x49: {  	s1 =	rddreg [dreg:$0x1];
	p0 =	sne.s32 s2, $0x0  }
0x4a: {  	s3 =	rddreg [dreg:$0x2];
	[bflag:$0x3] =	sbarrier.arrive $0xFFFF;
	s2 =	simm.s32 @!p0 $0x1C03  }
0x4b: {  	[timem:s3], [sflag:s2] =	dma.local @!p0 [hbm:s0], s1  }
0x4c: {  	s0 =	simm.s32 @!p0 $0x3  }
0x4d: {  	_ =	swait.ge @!p0 [sflag:s0], s1  }
0x4e: {  	s1 =	ssub.s32 @!p0 $0x0, s1;
	[sflag:s0] =	ssyncset.done @!p0 $0x0  }
0x4f: {  	[sflag:s0] =	ssyncadd.s32 @!p0 s1  }
0x50: {  	[bflag:$0x3] =	sbarrier.arrive $0xFFFF  }
0x51: {  	_ =	shalt  }

</sc_bundles>
